<compile_context>
chip_gen: v7x
topology: tpu7x:2x2x1
jax: 0.10.2.dev20260603
libtpu: 0.0.44.dev20260713+nightly
codegen_flags: <defaults>
</compile_context>

<pallas_src>
import functools

import jax
import jax.numpy as jnp
from jax import lax
from jax.experimental import pallas as pl
from jax.experimental.pallas import tpu as pltpu
from jax.experimental.pallas import tpu_sc as plsc

NUM_BUCKETS = 2048
HALF_DIM = 32
EMBEDDING_DIM = 64
PAD_ROW = 72

_info = plsc.get_sparse_core_info()
_NC, _NS, _L = _info.num_cores, _info.num_subcores, _info.num_lanes
_NW = _NC * _NS

_BLK = 128
_DB = EMBEDDING_DIM // 8


def _proj_body(t_ref, w_ref, b_ref, o_ref):
    o_ref[...] = (
        jnp.dot(t_ref[...], w_ref[...], preferred_element_type=jnp.float32)
        + b_ref[...]
    )


def _project_table(bucket_table, W, b):
    W2 = jnp.concatenate(
        [W, jnp.zeros((HALF_DIM, PAD_ROW - EMBEDDING_DIM), jnp.float32)], axis=1
    )
    b2 = jnp.concatenate(
        [b, jnp.zeros((PAD_ROW - EMBEDDING_DIM,), jnp.float32)]
    ).reshape(1, PAD_ROW)
    return pl.pallas_call(
        _proj_body,
        out_shape=jax.ShapeDtypeStruct((NUM_BUCKETS, PAD_ROW), jnp.float32),
    )(bucket_table, W2, b2)


def _make_gather(B, L):
    assert B == _NW * _BLK and L % 2 == 0
    mesh = plsc.VectorSubcoreMesh(core_axis_name="c", subcore_axis_name="s")

    @functools.partial(
        pl.kernel,
        out_type=jax.ShapeDtypeStruct((L * _DB * _NW, 8 * _BLK), jnp.float32),
        mesh=mesh,
        scratch_types=[
            pltpu.VMEM((1, L, _BLK), jnp.int32),
            pltpu.VMEM((_BLK, PAD_ROW), jnp.float32),
            pltpu.VMEM((_BLK, PAD_ROW), jnp.float32),
            pltpu.VMEM((_DB, 8 * _BLK), jnp.float32),
            pltpu.VMEM((_DB, 8 * _BLK), jnp.float32),
            pltpu.SemaphoreType.DMA,
            pltpu.SemaphoreType.DMA,
            pltpu.SemaphoreType.DMA,
            pltpu.SemaphoreType.DMA,
            pltpu.VMEM_SHARED((NUM_BUCKETS, PAD_ROW), jnp.float32),
        ],
        compiler_params=pltpu.CompilerParams(
            use_tc_tiling_on_sc=False, needs_layout_passes=False
        ),
    )
    def gather_kernel(p_hbm, x_hbm, out_hbm, idx_v, g0, g1, t0, t1,
                      gs0, gs1, ws0, ws1, p_sh):
        wid = lax.axis_index("s") * _NC + lax.axis_index("c")

        @pl.when(lax.axis_index("s") == 0)
        def _stage_table():
            pltpu.sync_copy(p_hbm, p_sh)

        plsc.subcore_barrier()
        gbufs, tbufs = (g0, g1), (t0, t1)
        gsems, wsems = (gs0, gs1), (ws0, ws1)

        pltpu.sync_copy(x_hbm.at[pl.ds(wid, 1)], idx_v)

        def and_body(r, carry):
            for g in range(_BLK // _L):
                sl = pl.ds(g * _L, _L)
                idx_v[0, r, sl] = lax.bitwise_and(idx_v[0, r, sl], NUM_BUCKETS - 1)
            return carry

        lax.fori_loop(0, L, and_body, 0)

        ii = lax.iota(jnp.int32, _L)
        rows_g = tuple(ii + g * _L for g in range(_BLK // _L))

        def start_gather(l, par):
            return pltpu.async_copy(
                p_sh.at[idx_v.at[0, l]], gbufs[par], gsems[par]
            )

        start_gather(0, 0)
        start_gather(1, 1)

        def pair_body(i, carry):
            for par in range(2):
                l = 2 * i + par
                gbuf, tbuf = gbufs[par], tbufs[par]
                pltpu.make_async_copy(
                    p_sh.at[idx_v.at[0, l]], gbuf, gsems[par]
                ).wait()

                @pl.when(i > 0)
                def _drain():
                    for dB in range(_DB):
                        pltpu.make_async_copy(
                            tbuf.at[pl.ds(dB, 1)],
                            out_hbm.at[pl.ds(l * _DB * _NW + dB * _NW + wid, 1)],
                            wsems[par],
                        ).wait()

                @plsc.parallel_loop(0, EMBEDDING_DIM, unroll=4)
                def tr_body(d):
                    dB = lax.shift_right_logical(d, 3)
                    c0 = lax.shift_left(lax.bitwise_and(d, 7), 7)
                    dv = jnp.full((_L,), 0, jnp.int32) + d
                    for g in range(_BLK // _L):
                        vals = plsc.load_gather(gbuf, [rows_g[g], dv])
                        tbuf[dB, pl.ds(c0 + g * _L, _L)] = vals

                for dB in range(_DB):
                    pltpu.async_copy(
                        tbuf.at[pl.ds(dB, 1)],
                        out_hbm.at[pl.ds(l * _DB * _NW + dB * _NW + wid, 1)],
                        wsems[par],
                    )

                @pl.when(l + 2 < L)
                def _next():
                    start_gather(l + 2, par)
            return carry

        lax.fori_loop(0, L // 2, pair_body, 0)

        for par in range(2):
            for dB in range(_DB):
                pltpu.make_async_copy(
                    tbufs[par].at[pl.ds(dB, 1)],
                    out_hbm.at[pl.ds(dB * _NW + wid, 1)],
                    wsems[par],
                ).wait()

    return gather_kernel


def kernel(x, bucket_table, W, b):
    B, L = x.shape
    P = _project_table(bucket_table, W, b)
    xT = x.astype(jnp.int32).T.reshape(L, _NW, _BLK).transpose(1, 0, 2)
    out2 = _make_gather(B, L)(P, xT)
    out5 = out2.reshape(L, _DB, _NW, 8, _BLK)
    return out5.transpose(2, 4, 0, 1, 3).reshape(B, L, EMBEDDING_DIM)

# --- scband reference (transcript-rebuilt; emitter-appended) ---
"""Pipeline reference for scband-factorized-embedding-20624432956131 (READ-ONLY COPY).

The authoritative reference and input builder live on the scoring server;
editing this copy changes nothing except your own understanding.
"""

import jax, jax.numpy as jnp
import numpy as np

NUM_EMBEDDINGS = 1000000
EMBEDDING_DIM = 64
NUM_BUCKETS = 2048
HALF_DIM = EMBEDDING_DIM // 2


def setup_inputs(seed: int = 0) -> dict:
    key = jax.random.key(seed)
    k1, k2, k3, k4 = jax.random.split(key, 4)
    x = jax.random.randint(k1, (4096, 200), 0, NUM_EMBEDDINGS, dtype=jnp.int64)
    # bucket embedding table [num_buckets, embedding_dim//2]
    bucket_table = jax.random.normal(k2, (NUM_BUCKETS, HALF_DIM), dtype=jnp.float32)
    # linear proj: stored as [half_dim, embedding_dim] so that y = e @ W + b (equivalent to torch Linear with weight W.T)
    bound = 1.0 / np.sqrt(HALF_DIM)
    W = jax.random.uniform(k3, (HALF_DIM, EMBEDDING_DIM), dtype=jnp.float32, minval=-bound, maxval=bound)
    b = jax.random.uniform(k4, (EMBEDDING_DIM,), dtype=jnp.float32, minval=-bound, maxval=bound)
    return {"x": x, "bucket_table": bucket_table, "W": W, "b": b}


def reference(x, bucket_table, W, b):
    # buckets = x % num_buckets
    buckets = jnp.mod(x, NUM_BUCKETS)
    # embedding lookup: [B, L, half_dim]
    e = jnp.take(bucket_table, buckets, axis=0)
    # linear projection to [B, L, embedding_dim]
    return e @ W + b

if __name__ == "__main__":
    import jax
    _d = setup_inputs()
    print(jax.jit(kernel)(*tuple(_d.values())))

</pallas_src>

<mosaic_0001>
#map = affine_map<(d0, d1) -> (0, 0)>
#map1 = affine_map<(d0, d1) -> (0, 0, 0)>
module attributes {stable_mosaic.version = 14 : i64} {
  func.func @gather_kernel(%arg0: i32, %arg1: i32, %arg2: memref<2048x72xf32, #tpu.memory_space<hbm>>, %arg3: memref<32x200x128xi32, #tpu.memory_space<hbm>>, %arg4: memref<51200x1024xf32, #tpu.memory_space<hbm>>, %arg5: memref<1x200x128xi32, #tpu.memory_space<vmem>>, %arg6: memref<128x72xf32, #tpu.memory_space<vmem>>, %arg7: memref<128x72xf32, #tpu.memory_space<vmem>>, %arg8: memref<8x1024xf32, #tpu.memory_space<vmem>>, %arg9: memref<8x1024xf32, #tpu.memory_space<vmem>>, %arg10: memref<!tpu.dma_semaphore, #tpu.memory_space<semaphore_mem>>, %arg11: memref<!tpu.dma_semaphore, #tpu.memory_space<semaphore_mem>>, %arg12: memref<!tpu.dma_semaphore, #tpu.memory_space<semaphore_mem>>, %arg13: memref<!tpu.dma_semaphore, #tpu.memory_space<semaphore_mem>>, %arg14: memref<2048x72xf32, #tpu.memory_space<vmem_shared>>) attributes {dimension_semantics = [#tpu.dimension_semantics<core_parallel>, #tpu.dimension_semantics<subcore_parallel>], iteration_bounds = array<i64: 2, 16>, scalar_prefetch = 0 : i64, scratch_operands = 10 : i64, tpu.core_type = #tpu.core_type<sc_vector_subcore>, window_params = [{transform_indices = #map}, {transform_indices = #map1}, {transform_indices = #map}]} {
    %mul3A = arith.constant 2 : i32
    %mul3A_0 = arith.muli %arg1, %mul3A : i32
    %add3A = arith.addi %mul3A_0, %arg0 : i32
    %eq3A = arith.constant 0 : i32
    %eq3A_1 = arith.cmpi eq, %arg1, %eq3A : i32
    %convert_element_type3A = arith.extui %eq3A_1 : i1 to i32
    %cond3A = arith.constant 0 : i32
    %cond3A_2 = arith.cmpi ne, %convert_element_type3A, %cond3A : i32
    scf.if %cond3A_2 {
      "tpu.region"() ({
        %run_scoped3A = tpu.sem_alloc : memref<!tpu.dma_semaphore, #tpu.memory_space<semaphore_mem>>
        tpu.enqueue_dma source(%arg2 : memref<2048x72xf32, #tpu.memory_space<hbm>>) target(%arg14 : memref<2048x72xf32, #tpu.memory_space<vmem_shared>>) target_semaphore(%run_scoped3A : memref<!tpu.dma_semaphore, #tpu.memory_space<semaphore_mem>>)
        tpu.wait_dma2 semaphore(%run_scoped3A : memref<!tpu.dma_semaphore, #tpu.memory_space<semaphore_mem>>) src(%arg2 : memref<2048x72xf32, #tpu.memory_space<hbm>>) dst(%arg14 : memref<2048x72xf32, #tpu.memory_space<vmem_shared>>)
        tpu.yield
      }) : () -> ()
    } else {
    }
    %barrier3A = arith.constant 0 : index
    tpu.barrier barrier_id(%barrier3A)
    "tpu.region"() ({
      %run_scoped3A = tpu.sem_alloc : memref<!tpu.dma_semaphore, #tpu.memory_space<semaphore_mem>>
      %dma_start3A_244 = arith.constant 0 : i32
      %dma_start3A_245 = arith.constant 0 : i32
      %dma_start3A_246 = tpu.memref_slice %arg3[%add3A, %dma_start3A_244, %dma_start3A_245] : memref<32x200x128xi32, #tpu.memory_space<hbm>> -> memref<1x200x128xi32, #tpu.memory_space<hbm>>
      %dma_start3A_247 = arith.constant 0 : i32
      %dma_start3A_248 = arith.constant 0 : i32
      %dma_start3A_249 = tpu.memref_slice %arg3[%add3A, %dma_start3A_247, %dma_start3A_248] : memref<32x200x128xi32, #tpu.memory_space<hbm>> -> memref<1x200x128xi32, #tpu.memory_space<hbm>>
      tpu.enqueue_dma source(%dma_start3A_249 : memref<1x200x128xi32, #tpu.memory_space<hbm>>) target(%arg5 : memref<1x200x128xi32, #tpu.memory_space<vmem>>) target_semaphore(%run_scoped3A : memref<!tpu.dma_semaphore, #tpu.memory_space<semaphore_mem>>)
      %dma_wait3A_250 = arith.constant 0 : i32
      %dma_wait3A_251 = arith.constant 0 : i32
      %dma_wait3A_252 = tpu.memref_slice %arg3[%add3A, %dma_wait3A_250, %dma_wait3A_251] : memref<32x200x128xi32, #tpu.memory_space<hbm>> -> memref<1x200x128xi32, #tpu.memory_space<hbm>>
      %dma_wait3A_253 = arith.constant 0 : i32
      %dma_wait3A_254 = arith.constant 0 : i32
      %dma_wait3A_255 = tpu.memref_slice %arg3[%add3A, %dma_wait3A_253, %dma_wait3A_254] : memref<32x200x128xi32, #tpu.memory_space<hbm>> -> memref<1x200x128xi32, #tpu.memory_space<hbm>>
      tpu.wait_dma2 semaphore(%run_scoped3A : memref<!tpu.dma_semaphore, #tpu.memory_space<semaphore_mem>>) src(%dma_wait3A_255 : memref<1x200x128xi32, #tpu.memory_space<hbm>>) dst(%arg5 : memref<1x200x128xi32, #tpu.memory_space<vmem>>)
      tpu.yield
    }) : () -> ()
    %scan3A = arith.constant 0 : i32
    %scan3A_3 = arith.constant 0 : i32
    %scan3A_4 = arith.constant 200 : i32
    %scan3A_5 = arith.addi %scan3A_3, %scan3A_4 : i32
    %scan3A_6 = arith.constant 1 : i32
    scf.for %scan3A_244 = %scan3A_3 to %scan3A_5 step %scan3A_6  : i32 {
      %get3A = arith.constant 0 : i32
      %get3A_245 = arith.index_cast %get3A : i32 to index
      %get3A_246 = arith.index_cast %scan3A_244 : i32 to index
      %get3A_247 = arith.constant 0 : index
      %get3A_248 = tpu.vector_load %arg5[%get3A_245, %get3A_246, %get3A_247] {strides = array<i32>} : memref<1x200x128xi32, #tpu.memory_space<vmem>>, vector<16xi32>,
      %and3A = arith.constant 2047 : i32
      %and3A_249 = vector.broadcast %and3A : i32 to vector<16xi32>
      %and3A_250 = arith.andi %get3A_248, %and3A_249 : vector<16xi32>
      %swap3A = arith.constant 0 : i32
      %swap3A_251 = arith.index_cast %swap3A : i32 to index
      %swap3A_252 = arith.index_cast %scan3A_244 : i32 to index
      %swap3A_253 = arith.constant 0 : index
      %swap3A_254 = tpu.vector_load %arg5[%swap3A_251, %swap3A_252, %swap3A_253] {strides = array<i32>} : memref<1x200x128xi32, #tpu.memory_space<vmem>>, vector<16xi32>,
      tpu.vector_store %arg5[%swap3A_251, %swap3A_252, %swap3A_253], %and3A_250 {strides = array<i32>} : memref<1x200x128xi32, #tpu.memory_space<vmem>>, vector<16xi32>,
      %get3A_255 = arith.constant 0 : i32
      %get3A_256 = arith.index_cast %get3A_255 : i32 to index
      %get3A_257 = arith.index_cast %scan3A_244 : i32 to index
      %get3A_258 = arith.constant 16 : index
      %get3A_259 = tpu.vector_load %arg5[%get3A_256, %get3A_257, %get3A_258] {strides = array<i32>} : memref<1x200x128xi32, #tpu.memory_space<vmem>>, vector<16xi32>,
      %and3A_260 = arith.constant 2047 : i32
      %and3A_261 = vector.broadcast %and3A_260 : i32 to vector<16xi32>
      %and3A_262 = arith.andi %get3A_259, %and3A_261 : vector<16xi32>
      %swap3A_263 = arith.constant 0 : i32
      %swap3A_264 = arith.index_cast %swap3A_263 : i32 to index
      %swap3A_265 = arith.index_cast %scan3A_244 : i32 to index
      %swap3A_266 = arith.constant 16 : index
      %swap3A_267 = tpu.vector_load %arg5[%swap3A_264, %swap3A_265, %swap3A_266] {strides = array<i32>} : memref<1x200x128xi32, #tpu.memory_space<vmem>>, vector<16xi32>,
      tpu.vector_store %arg5[%swap3A_264, %swap3A_265, %swap3A_266], %and3A_262 {strides = array<i32>} : memref<1x200x128xi32, #tpu.memory_space<vmem>>, vector<16xi32>,
      %get3A_268 = arith.constant 0 : i32
      %get3A_269 = arith.index_cast %get3A_268 : i32 to index
      %get3A_270 = arith.index_cast %scan3A_244 : i32 to index
      %get3A_271 = arith.constant 32 : index
      %get3A_272 = tpu.vector_load %arg5[%get3A_269, %get3A_270, %get3A_271] {strides = array<i32>} : memref<1x200x128xi32, #tpu.memory_space<vmem>>, vector<16xi32>,
      %and3A_273 = arith.constant 2047 : i32
      %and3A_274 = vector.broadcast %and3A_273 : i32 to vector<16xi32>
      %and3A_275 = arith.andi %get3A_272, %and3A_274 : vector<16xi32>
      %swap3A_276 = arith.constant 0 : i32
      %swap3A_277 = arith.index_cast %swap3A_276 : i32 to index
      %swap3A_278 = arith.index_cast %scan3A_244 : i32 to index
      %swap3A_279 = arith.constant 32 : index
      %swap3A_280 = tpu.vector_load %arg5[%swap3A_277, %swap3A_278, %swap3A_279] {strides = array<i32>} : memref<1x200x128xi32, #tpu.memory_space<vmem>>, vector<16xi32>,
      tpu.vector_store %arg5[%swap3A_277, %swap3A_278, %swap3A_279], %and3A_275 {strides = array<i32>} : memref<1x200x128xi32, #tpu.memory_space<vmem>>, vector<16xi32>,
      %get3A_281 = arith.constant 0 : i32
      %get3A_282 = arith.index_cast %get3A_281 : i32 to index
      %get3A_283 = arith.index_cast %scan3A_244 : i32 to index
      %get3A_284 = arith.constant 48 : index
      %get3A_285 = tpu.vector_load %arg5[%get3A_282, %get3A_283, %get3A_284] {strides = array<i32>} : memref<1x200x128xi32, #tpu.memory_space<vmem>>, vector<16xi32>,
      %and3A_286 = arith.constant 2047 : i32
      %and3A_287 = vector.broadcast %and3A_286 : i32 to vector<16xi32>
      %and3A_288 = arith.andi %get3A_285, %and3A_287 : vector<16xi32>
      %swap3A_289 = arith.constant 0 : i32
      %swap3A_290 = arith.index_cast %swap3A_289 : i32 to index
      %swap3A_291 = arith.index_cast %scan3A_244 : i32 to index
      %swap3A_292 = arith.constant 48 : index
      %swap3A_293 = tpu.vector_load %arg5[%swap3A_290, %swap3A_291, %swap3A_292] {strides = array<i32>} : memref<1x200x128xi32, #tpu.memory_space<vmem>>, vector<16xi32>,
      tpu.vector_store %arg5[%swap3A_290, %swap3A_291, %swap3A_292], %and3A_288 {strides = array<i32>} : memref<1x200x128xi32, #tpu.memory_space<vmem>>, vector<16xi32>,
      %get3A_294 = arith.constant 0 : i32
      %get3A_295 = arith.index_cast %get3A_294 : i32 to index
      %get3A_296 = arith.index_cast %scan3A_244 : i32 to index
      %get3A_297 = arith.constant 64 : index
      %get3A_298 = tpu.vector_load %arg5[%get3A_295, %get3A_296, %get3A_297] {strides = array<i32>} : memref<1x200x128xi32, #tpu.memory_space<vmem>>, vector<16xi32>,
      %and3A_299 = arith.constant 2047 : i32
      %and3A_300 = vector.broadcast %and3A_299 : i32 to vector<16xi32>
      %and3A_301 = arith.andi %get3A_298, %and3A_300 : vector<16xi32>
      %swap3A_302 = arith.constant 0 : i32
      %swap3A_303 = arith.index_cast %swap3A_302 : i32 to index
      %swap3A_304 = arith.index_cast %scan3A_244 : i32 to index
      %swap3A_305 = arith.constant 64 : index
      %swap3A_306 = tpu.vector_load %arg5[%swap3A_303, %swap3A_304, %swap3A_305] {strides = array<i32>} : memref<1x200x128xi32, #tpu.memory_space<vmem>>, vector<16xi32>,
      tpu.vector_store %arg5[%swap3A_303, %swap3A_304, %swap3A_305], %and3A_301 {strides = array<i32>} : memref<1x200x128xi32, #tpu.memory_space<vmem>>, vector<16xi32>,
      %get3A_307 = arith.constant 0 : i32
      %get3A_308 = arith.index_cast %get3A_307 : i32 to index
      %get3A_309 = arith.index_cast %scan3A_244 : i32 to index
      %get3A_310 = arith.constant 80 : index
      %get3A_311 = tpu.vector_load %arg5[%get3A_308, %get3A_309, %get3A_310] {strides = array<i32>} : memref<1x200x128xi32, #tpu.memory_space<vmem>>, vector<16xi32>,
      %and3A_312 = arith.constant 2047 : i32
      %and3A_313 = vector.broadcast %and3A_312 : i32 to vector<16xi32>
      %and3A_314 = arith.andi %get3A_311, %and3A_313 : vector<16xi32>
      %swap3A_315 = arith.constant 0 : i32
      %swap3A_316 = arith.index_cast %swap3A_315 : i32 to index
      %swap3A_317 = arith.index_cast %scan3A_244 : i32 to index
      %swap3A_318 = arith.constant 80 : index
      %swap3A_319 = tpu.vector_load %arg5[%swap3A_316, %swap3A_317, %swap3A_318] {strides = array<i32>} : memref<1x200x128xi32, #tpu.memory_space<vmem>>, vector<16xi32>,
      tpu.vector_store %arg5[%swap3A_316, %swap3A_317, %swap3A_318], %and3A_314 {strides = array<i32>} : memref<1x200x128xi32, #tpu.memory_space<vmem>>, vector<16xi32>,
      %get3A_320 = arith.constant 0 : i32
      %get3A_321 = arith.index_cast %get3A_320 : i32 to index
      %get3A_322 = arith.index_cast %scan3A_244 : i32 to index
      %get3A_323 = arith.constant 96 : index
      %get3A_324 = tpu.vector_load %arg5[%get3A_321, %get3A_322, %get3A_323] {strides = array<i32>} : memref<1x200x128xi32, #tpu.memory_space<vmem>>, vector<16xi32>,
      %and3A_325 = arith.constant 2047 : i32
      %and3A_326 = vector.broadcast %and3A_325 : i32 to vector<16xi32>
      %and3A_327 = arith.andi %get3A_324, %and3A_326 : vector<16xi32>
      %swap3A_328 = arith.constant 0 : i32
      %swap3A_329 = arith.index_cast %swap3A_328 : i32 to index
      %swap3A_330 = arith.index_cast %scan3A_244 : i32 to index
      %swap3A_331 = arith.constant 96 : index
      %swap3A_332 = tpu.vector_load %arg5[%swap3A_329, %swap3A_330, %swap3A_331] {strides = array<i32>} : memref<1x200x128xi32, #tpu.memory_space<vmem>>, vector<16xi32>,
      tpu.vector_store %arg5[%swap3A_329, %swap3A_330, %swap3A_331], %and3A_327 {strides = array<i32>} : memref<1x200x128xi32, #tpu.memory_space<vmem>>, vector<16xi32>,
      %get3A_333 = arith.constant 0 : i32
      %get3A_334 = arith.index_cast %get3A_333 : i32 to index
      %get3A_335 = arith.index_cast %scan3A_244 : i32 to index
      %get3A_336 = arith.constant 112 : index
      %get3A_337 = tpu.vector_load %arg5[%get3A_334, %get3A_335, %get3A_336] {strides = array<i32>} : memref<1x200x128xi32, #tpu.memory_space<vmem>>, vector<16xi32>,
      %and3A_338 = arith.constant 2047 : i32
      %and3A_339 = vector.broadcast %and3A_338 : i32 to vector<16xi32>
      %and3A_340 = arith.andi %get3A_337, %and3A_339 : vector<16xi32>
      %swap3A_341 = arith.constant 0 : i32
      %swap3A_342 = arith.index_cast %swap3A_341 : i32 to index
      %swap3A_343 = arith.index_cast %scan3A_244 : i32 to index
      %swap3A_344 = arith.constant 112 : index
      %swap3A_345 = tpu.vector_load %arg5[%swap3A_342, %swap3A_343, %swap3A_344] {strides = array<i32>} : memref<1x200x128xi32, #tpu.memory_space<vmem>>, vector<16xi32>,
      tpu.vector_store %arg5[%swap3A_342, %swap3A_343, %swap3A_344], %and3A_340 {strides = array<i32>} : memref<1x200x128xi32, #tpu.memory_space<vmem>>, vector<16xi32>,
    }
    %scan3A_7 = arith.constant 200 : i32
    %iota3A = tpu.iota {dimensions = array<i32: 0>} : vector<16xi32>
    %add3A_8 = arith.constant 0 : i32
    %add3A_9 = vector.broadcast %add3A_8 : i32 to vector<16xi32>
    %add3A_10 = arith.addi %iota3A, %add3A_9 : vector<16xi32>
    %add3A_11 = arith.constant 16 : i32
    %add3A_12 = vector.broadcast %add3A_11 : i32 to vector<16xi32>
    %add3A_13 = arith.addi %iota3A, %add3A_12 : vector<16xi32>
    %add3A_14 = arith.constant 32 : i32
    %add3A_15 = vector.broadcast %add3A_14 : i32 to vector<16xi32>
    %add3A_16 = arith.addi %iota3A, %add3A_15 : vector<16xi32>
    %add3A_17 = arith.constant 48 : i32
    %add3A_18 = vector.broadcast %add3A_17 : i32 to vector<16xi32>
    %add3A_19 = arith.addi %iota3A, %add3A_18 : vector<16xi32>
    %add3A_20 = arith.constant 64 : i32
    %add3A_21 = vector.broadcast %add3A_20 : i32 to vector<16xi32>
    %add3A_22 = arith.addi %iota3A, %add3A_21 : vector<16xi32>
    %add3A_23 = arith.constant 80 : i32
    %add3A_24 = vector.broadcast %add3A_23 : i32 to vector<16xi32>
    %add3A_25 = arith.addi %iota3A, %add3A_24 : vector<16xi32>
    %add3A_26 = arith.constant 96 : i32
    %add3A_27 = vector.broadcast %add3A_26 : i32 to vector<16xi32>
    %add3A_28 = arith.addi %iota3A, %add3A_27 : vector<16xi32>
    %add3A_29 = arith.constant 112 : i32
    %add3A_30 = vector.broadcast %add3A_29 : i32 to vector<16xi32>
    %add3A_31 = arith.addi %iota3A, %add3A_30 : vector<16xi32>
    %dma_start3A = arith.constant 0 : i32
    %dma_start3A_32 = arith.constant 0 : i32
    %dma_start3A_33 = arith.constant 0 : i32
    %dma_start3A_34 = tpu.memref_slice %arg5[%dma_start3A, %dma_start3A_32, %dma_start3A_33] : memref<1x200x128xi32, #tpu.memory_space<vmem>> -> memref<1x1x128xi32, #tpu.memory_space<vmem>>
    %dma_start3A_35 = tpu.memref_squeeze %dma_start3A_34 : memref<1x1x128xi32, #tpu.memory_space<vmem>> -> memref<128xi32, #tpu.memory_space<vmem>>
    %dma_start3A_36 = arith.constant 0 : i32
    %dma_start3A_37 = arith.constant 0 : i32
    %dma_start3A_38 = tpu.memref_slice %arg14[%dma_start3A_36, %dma_start3A_37] : memref<2048x72xf32, #tpu.memory_space<vmem_shared>> -> memref<2048x72xf32, #tpu.memory_space<vmem_shared>>
    tpu.enqueue_indirect_dma source(%dma_start3A_38 : memref<2048x72xf32, #tpu.memory_space<vmem_shared>>) target(%arg6 : memref<128x72xf32, #tpu.memory_space<vmem>>) offsets(%dma_start3A_35 : memref<128xi32, #tpu.memory_space<vmem>>) semaphore(%arg10 : memref<!tpu.dma_semaphore, #tpu.memory_space<semaphore_mem>>)
    %dma_start3A_39 = arith.constant 0 : i32
    %dma_start3A_40 = arith.constant 1 : i32
    %dma_start3A_41 = arith.constant 0 : i32
    %dma_start3A_42 = tpu.memref_slice %arg5[%dma_start3A_39, %dma_start3A_40, %dma_start3A_41] : memref<1x200x128xi32, #tpu.memory_space<vmem>> -> memref<1x1x128xi32, #tpu.memory_space<vmem>>
    %dma_start3A_43 = tpu.memref_squeeze %dma_start3A_42 : memref<1x1x128xi32, #tpu.memory_space<vmem>> -> memref<128xi32, #tpu.memory_space<vmem>>
    %dma_start3A_44 = arith.constant 0 : i32
    %dma_start3A_45 = arith.constant 0 : i32
    %dma_start3A_46 = tpu.memref_slice %arg14[%dma_start3A_44, %dma_start3A_45] : memref<2048x72xf32, #tpu.memory_space<vmem_shared>> -> memref<2048x72xf32, #tpu.memory_space<vmem_shared>>
    tpu.enqueue_indirect_dma source(%dma_start3A_46 : memref<2048x72xf32, #tpu.memory_space<vmem_shared>>) target(%arg7 : memref<128x72xf32, #tpu.memory_space<vmem>>) offsets(%dma_start3A_43 : memref<128xi32, #tpu.memory_space<vmem>>) semaphore(%arg11 : memref<!tpu.dma_semaphore, #tpu.memory_space<semaphore_mem>>)
    %scan3A_47 = arith.constant 0 : i32
    %scan3A_48 = arith.constant 0 : i32
    %scan3A_49 = arith.constant 100 : i32
    %scan3A_50 = arith.addi %scan3A_48, %scan3A_49 : i32
    %scan3A_51 = arith.constant 1 : i32
    scf.for %scan3A_244 = %scan3A_48 to %scan3A_50 step %scan3A_51  : i32 {
      %mul3A_245 = arith.constant 2 : i32
      %mul3A_246 = arith.muli %mul3A_245, %scan3A_244 : i32
      %add3A_247 = arith.constant 0 : i32
      %add3A_248 = arith.addi %mul3A_246, %add3A_247 : i32
      %dma_wait3A_249 = arith.constant 0 : i32
      %dma_wait3A_250 = arith.constant 0 : i32
      %dma_wait3A_251 = tpu.memref_slice %arg5[%dma_wait3A_249, %add3A_248, %dma_wait3A_250] : memref<1x200x128xi32, #tpu.memory_space<vmem>> -> memref<1x1x128xi32, #tpu.memory_space<vmem>>
      %dma_wait3A_252 = tpu.memref_squeeze %dma_wait3A_251 : memref<1x1x128xi32, #tpu.memory_space<vmem>> -> memref<128xi32, #tpu.memory_space<vmem>>
      %dma_wait3A_253 = arith.constant 0 : i32
      %dma_wait3A_254 = arith.constant 0 : i32
      %dma_wait3A_255 = tpu.memref_slice %arg14[%dma_wait3A_253, %dma_wait3A_254] : memref<2048x72xf32, #tpu.memory_space<vmem_shared>> -> memref<2048x72xf32, #tpu.memory_space<vmem_shared>>
      tpu.wait_indirect_dma semaphore(%arg10 : memref<!tpu.dma_semaphore, #tpu.memory_space<semaphore_mem>>) src(%dma_wait3A_255 : memref<2048x72xf32, #tpu.memory_space<vmem_shared>>) dst(%arg6 : memref<128x72xf32, #tpu.memory_space<vmem>>)
      %gt3A = arith.constant 0 : i32
      %gt3A_256 = arith.cmpi sgt, %scan3A_244, %gt3A : i32
      %convert_element_type3A_257 = arith.extui %gt3A_256 : i1 to i32
      %cond3A_258 = arith.constant 0 : i32
      %cond3A_259 = arith.cmpi ne, %convert_element_type3A_257, %cond3A_258 : i32
      scf.if %cond3A_259 {
        %mul3A_566 = arith.constant 8 : i32
        %mul3A_567 = arith.muli %add3A_248, %mul3A_566 : i32
        %mul3A_568 = arith.constant 32 : i32
        %mul3A_569 = arith.muli %mul3A_567, %mul3A_568 : i32
        %add3A_570 = arith.constant 0 : i32
        %add3A_571 = arith.addi %mul3A_569, %add3A_570 : i32
        %add3A_572 = arith.addi %add3A_571, %add3A : i32
        %dma_wait3A_573 = arith.constant 0 : i32
        %dma_wait3A_574 = arith.constant 0 : i32
        %dma_wait3A_575 = tpu.memref_slice %arg8[%dma_wait3A_573, %dma_wait3A_574] : memref<8x1024xf32, #tpu.memory_space<vmem>> -> memref<1x1024xf32, #tpu.memory_space<vmem>>
        %dma_wait3A_576 = arith.constant 0 : i32
        %dma_wait3A_577 = tpu.memref_slice %arg4[%add3A_572, %dma_wait3A_576] : memref<51200x1024xf32, #tpu.memory_space<hbm>> -> memref<1x1024xf32, #tpu.memory_space<hbm>>
        %dma_wait3A_578 = arith.constant 0 : i32
        %dma_wait3A_579 = tpu.memref_slice %arg4[%add3A_572, %dma_wait3A_578] : memref<51200x1024xf32, #tpu.memory_space<hbm>> -> memref<1x1024xf32, #tpu.memory_space<hbm>>
        %dma_wait3A_580 = arith.constant 0 : i32
        %dma_wait3A_581 = arith.constant 0 : i32
        %dma_wait3A_582 = tpu.memref_slice %arg8[%dma_wait3A_580, %dma_wait3A_581] : memref<8x1024xf32, #tpu.memory_space<vmem>> -> memref<1x1024xf32, #tpu.memory_space<vmem>>
        tpu.wait_dma2 semaphore(%arg12 : memref<!tpu.dma_semaphore, #tpu.memory_space<semaphore_mem>>) src(%dma_wait3A_582 : memref<1x1024xf32, #tpu.memory_space<vmem>>) dst(%dma_wait3A_579 : memref<1x1024xf32, #tpu.memory_space<hbm>>)
        %mul3A_583 = arith.constant 8 : i32
        %mul3A_584 = arith.muli %add3A_248, %mul3A_583 : i32
        %mul3A_585 = arith.constant 32 : i32
        %mul3A_586 = arith.muli %mul3A_584, %mul3A_585 : i32
        %add3A_587 = arith.constant 32 : i32
        %add3A_588 = arith.addi %mul3A_586, %add3A_587 : i32
        %add3A_589 = arith.addi %add3A_588, %add3A : i32
        %dma_wait3A_590 = arith.constant 1 : i32
        %dma_wait3A_591 = arith.constant 0 : i32
        %dma_wait3A_592 = tpu.memref_slice %arg8[%dma_wait3A_590, %dma_wait3A_591] : memref<8x1024xf32, #tpu.memory_space<vmem>> -> memref<1x1024xf32, #tpu.memory_space<vmem>>
        %dma_wait3A_593 = arith.constant 0 : i32
        %dma_wait3A_594 = tpu.memref_slice %arg4[%add3A_589, %dma_wait3A_593] : memref<51200x1024xf32, #tpu.memory_space<hbm>> -> memref<1x1024xf32, #tpu.memory_space<hbm>>
        %dma_wait3A_595 = arith.constant 0 : i32
        %dma_wait3A_596 = tpu.memref_slice %arg4[%add3A_589, %dma_wait3A_595] : memref<51200x1024xf32, #tpu.memory_space<hbm>> -> memref<1x1024xf32, #tpu.memory_space<hbm>>
        %dma_wait3A_597 = arith.constant 1 : i32
        %dma_wait3A_598 = arith.constant 0 : i32
        %dma_wait3A_599 = tpu.memref_slice %arg8[%dma_wait3A_597, %dma_wait3A_598] : memref<8x1024xf32, #tpu.memory_space<vmem>> -> memref<1x1024xf32, #tpu.memory_space<vmem>>
        tpu.wait_dma2 semaphore(%arg12 : memref<!tpu.dma_semaphore, #tpu.memory_space<semaphore_mem>>) src(%dma_wait3A_599 : memref<1x1024xf32, #tpu.memory_space<vmem>>) dst(%dma_wait3A_596 : memref<1x1024xf32, #tpu.memory_space<hbm>>)
        %mul3A_600 = arith.constant 8 : i32
        %mul3A_601 = arith.muli %add3A_248, %mul3A_600 : i32
        %mul3A_602 = arith.constant 32 : i32
        %mul3A_603 = arith.muli %mul3A_601, %mul3A_602 : i32
        %add3A_604 = arith.constant 64 : i32
        %add3A_605 = arith.addi %mul3A_603, %add3A_604 : i32
        %add3A_606 = arith.addi %add3A_605, %add3A : i32
        %dma_wait3A_607 = arith.constant 2 : i32
        %dma_wait3A_608 = arith.constant 0 : i32
        %dma_wait3A_609 = tpu.memref_slice %arg8[%dma_wait3A_607, %dma_wait3A_608] : memref<8x1024xf32, #tpu.memory_space<vmem>> -> memref<1x1024xf32, #tpu.memory_space<vmem>>
        %dma_wait3A_610 = arith.constant 0 : i32
        %dma_wait3A_611 = tpu.memref_slice %arg4[%add3A_606, %dma_wait3A_610] : memref<51200x1024xf32, #tpu.memory_space<hbm>> -> memref<1x1024xf32, #tpu.memory_space<hbm>>
        %dma_wait3A_612 = arith.constant 0 : i32
        %dma_wait3A_613 = tpu.memref_slice %arg4[%add3A_606, %dma_wait3A_612] : memref<51200x1024xf32, #tpu.memory_space<hbm>> -> memref<1x1024xf32, #tpu.memory_space<hbm>>
        %dma_wait3A_614 = arith.constant 2 : i32
        %dma_wait3A_615 = arith.constant 0 : i32
        %dma_wait3A_616 = tpu.memref_slice %arg8[%dma_wait3A_614, %dma_wait3A_615] : memref<8x1024xf32, #tpu.memory_space<vmem>> -> memref<1x1024xf32, #tpu.memory_space<vmem>>
        tpu.wait_dma2 semaphore(%arg12 : memref<!tpu.dma_semaphore, #tpu.memory_space<semaphore_mem>>) src(%dma_wait3A_616 : memref<1x1024xf32, #tpu.memory_space<vmem>>) dst(%dma_wait3A_613 : memref<1x1024xf32, #tpu.memory_space<hbm>>)
        %mul3A_617 = arith.constant 8 : i32
        %mul3A_618 = arith.muli %add3A_248, %mul3A_617 : i32
        %mul3A_619 = arith.constant 32 : i32
        %mul3A_620 = arith.muli %mul3A_618, %mul3A_619 : i32
        %add3A_621 = arith.constant 96 : i32
        %add3A_622 = arith.addi %mul3A_620, %add3A_621 : i32
        %add3A_623 = arith.addi %add3A_622, %add3A : i32
        %dma_wait3A_624 = arith.constant 3 : i32
        %dma_wait3A_625 = arith.constant 0 : i32
        %dma_wait3A_626 = tpu.memref_slice %arg8[%dma_wait3A_624, %dma_wait3A_625] : memref<8x1024xf32, #tpu.memory_space<vmem>> -> memref<1x1024xf32, #tpu.memory_space<vmem>>
        %dma_wait3A_627 = arith.constant 0 : i32
        %dma_wait3A_628 = tpu.memref_slice %arg4[%add3A_623, %dma_wait3A_627] : memref<51200x1024xf32, #tpu.memory_space<hbm>> -> memref<1x1024xf32, #tpu.memory_space<hbm>>
        %dma_wait3A_629 = arith.constant 0 : i32
        %dma_wait3A_630 = tpu.memref_slice %arg4[%add3A_623, %dma_wait3A_629] : memref<51200x1024xf32, #tpu.memory_space<hbm>> -> memref<1x1024xf32, #tpu.memory_space<hbm>>
        %dma_wait3A_631 = arith.constant 3 : i32
        %dma_wait3A_632 = arith.constant 0 : i32
        %dma_wait3A_633 = tpu.memref_slice %arg8[%dma_wait3A_631, %dma_wait3A_632] : memref<8x1024xf32, #tpu.memory_space<vmem>> -> memref<1x1024xf32, #tpu.memory_space<vmem>>
        tpu.wait_dma2 semaphore(%arg12 : memref<!tpu.dma_semaphore, #tpu.memory_space<semaphore_mem>>) src(%dma_wait3A_633 : memref<1x1024xf32, #tpu.memory_space<vmem>>) dst(%dma_wait3A_630 : memref<1x1024xf32, #tpu.memory_space<hbm>>)
        %mul3A_634 = arith.constant 8 : i32
        %mul3A_635 = arith.muli %add3A_248, %mul3A_634 : i32
        %mul3A_636 = arith.constant 32 : i32
        %mul3A_637 = arith.muli %mul3A_635, %mul3A_636 : i32
        %add3A_638 = arith.constant 128 : i32
        %add3A_639 = arith.addi %mul3A_637, %add3A_638 : i32
        %add3A_640 = arith.addi %add3A_639, %add3A : i32
        %dma_wait3A_641 = arith.constant 4 : i32
        %dma_wait3A_642 = arith.constant 0 : i32
        %dma_wait3A_643 = tpu.memref_slice %arg8[%dma_wait3A_641, %dma_wait3A_642] : memref<8x1024xf32, #tpu.memory_space<vmem>> -> memref<1x1024xf32, #tpu.memory_space<vmem>>
        %dma_wait3A_644 = arith.constant 0 : i32
        %dma_wait3A_645 = tpu.memref_slice %arg4[%add3A_640, %dma_wait3A_644] : memref<51200x1024xf32, #tpu.memory_space<hbm>> -> memref<1x1024xf32, #tpu.memory_space<hbm>>
        %dma_wait3A_646 = arith.constant 0 : i32
        %dma_wait3A_647 = tpu.memref_slice %arg4[%add3A_640, %dma_wait3A_646] : memref<51200x1024xf32, #tpu.memory_space<hbm>> -> memref<1x1024xf32, #tpu.memory_space<hbm>>
        %dma_wait3A_648 = arith.constant 4 : i32
        %dma_wait3A_649 = arith.constant 0 : i32
        %dma_wait3A_650 = tpu.memref_slice %arg8[%dma_wait3A_648, %dma_wait3A_649] : memref<8x1024xf32, #tpu.memory_space<vmem>> -> memref<1x1024xf32, #tpu.memory_space<vmem>>
        tpu.wait_dma2 semaphore(%arg12 : memref<!tpu.dma_semaphore, #tpu.memory_space<semaphore_mem>>) src(%dma_wait3A_650 : memref<1x1024xf32, #tpu.memory_space<vmem>>) dst(%dma_wait3A_647 : memref<1x1024xf32, #tpu.memory_space<hbm>>)
        %mul3A_651 = arith.constant 8 : i32
        %mul3A_652 = arith.muli %add3A_248, %mul3A_651 : i32
        %mul3A_653 = arith.constant 32 : i32
        %mul3A_654 = arith.muli %mul3A_652, %mul3A_653 : i32
        %add3A_655 = arith.constant 160 : i32
        %add3A_656 = arith.addi %mul3A_654, %add3A_655 : i32
        %add3A_657 = arith.addi %add3A_656, %add3A : i32
        %dma_wait3A_658 = arith.constant 5 : i32
        %dma_wait3A_659 = arith.constant 0 : i32
        %dma_wait3A_660 = tpu.memref_slice %arg8[%dma_wait3A_658, %dma_wait3A_659] : memref<8x1024xf32, #tpu.memory_space<vmem>> -> memref<1x1024xf32, #tpu.memory_space<vmem>>
        %dma_wait3A_661 = arith.constant 0 : i32
        %dma_wait3A_662 = tpu.memref_slice %arg4[%add3A_657, %dma_wait3A_661] : memref<51200x1024xf32, #tpu.memory_space<hbm>> -> memref<1x1024xf32, #tpu.memory_space<hbm>>
        %dma_wait3A_663 = arith.constant 0 : i32
        %dma_wait3A_664 = tpu.memref_slice %arg4[%add3A_657, %dma_wait3A_663] : memref<51200x1024xf32, #tpu.memory_space<hbm>> -> memref<1x1024xf32, #tpu.memory_space<hbm>>
        %dma_wait3A_665 = arith.constant 5 : i32
        %dma_wait3A_666 = arith.constant 0 : i32
        %dma_wait3A_667 = tpu.memref_slice %arg8[%dma_wait3A_665, %dma_wait3A_666] : memref<8x1024xf32, #tpu.memory_space<vmem>> -> memref<1x1024xf32, #tpu.memory_space<vmem>>
        tpu.wait_dma2 semaphore(%arg12 : memref<!tpu.dma_semaphore, #tpu.memory_space<semaphore_mem>>) src(%dma_wait3A_667 : memref<1x1024xf32, #tpu.memory_space<vmem>>) dst(%dma_wait3A_664 : memref<1x1024xf32, #tpu.memory_space<hbm>>)
        %mul3A_668 = arith.constant 8 : i32
        %mul3A_669 = arith.muli %add3A_248, %mul3A_668 : i32
        %mul3A_670 = arith.constant 32 : i32
        %mul3A_671 = arith.muli %mul3A_669, %mul3A_670 : i32
        %add3A_672 = arith.constant 192 : i32
        %add3A_673 = arith.addi %mul3A_671, %add3A_672 : i32
        %add3A_674 = arith.addi %add3A_673, %add3A : i32
        %dma_wait3A_675 = arith.constant 6 : i32
        %dma_wait3A_676 = arith.constant 0 : i32
        %dma_wait3A_677 = tpu.memref_slice %arg8[%dma_wait3A_675, %dma_wait3A_676] : memref<8x1024xf32, #tpu.memory_space<vmem>> -> memref<1x1024xf32, #tpu.memory_space<vmem>>
        %dma_wait3A_678 = arith.constant 0 : i32
        %dma_wait3A_679 = tpu.memref_slice %arg4[%add3A_674, %dma_wait3A_678] : memref<51200x1024xf32, #tpu.memory_space<hbm>> -> memref<1x1024xf32, #tpu.memory_space<hbm>>
        %dma_wait3A_680 = arith.constant 0 : i32
        %dma_wait3A_681 = tpu.memref_slice %arg4[%add3A_674, %dma_wait3A_680] : memref<51200x1024xf32, #tpu.memory_space<hbm>> -> memref<1x1024xf32, #tpu.memory_space<hbm>>
        %dma_wait3A_682 = arith.constant 6 : i32
        %dma_wait3A_683 = arith.constant 0 : i32
        %dma_wait3A_684 = tpu.memref_slice %arg8[%dma_wait3A_682, %dma_wait3A_683] : memref<8x1024xf32, #tpu.memory_space<vmem>> -> memref<1x1024xf32, #tpu.memory_space<vmem>>
        tpu.wait_dma2 semaphore(%arg12 : memref<!tpu.dma_semaphore, #tpu.memory_space<semaphore_mem>>) src(%dma_wait3A_684 : memref<1x1024xf32, #tpu.memory_space<vmem>>) dst(%dma_wait3A_681 : memref<1x1024xf32, #tpu.memory_space<hbm>>)
        %mul3A_685 = arith.constant 8 : i32
        %mul3A_686 = arith.muli %add3A_248, %mul3A_685 : i32
        %mul3A_687 = arith.constant 32 : i32
        %mul3A_688 = arith.muli %mul3A_686, %mul3A_687 : i32
        %add3A_689 = arith.constant 224 : i32
        %add3A_690 = arith.addi %mul3A_688, %add3A_689 : i32
        %add3A_691 = arith.addi %add3A_690, %add3A : i32
        %dma_wait3A_692 = arith.constant 7 : i32
        %dma_wait3A_693 = arith.constant 0 : i32
        %dma_wait3A_694 = tpu.memref_slice %arg8[%dma_wait3A_692, %dma_wait3A_693] : memref<8x1024xf32, #tpu.memory_space<vmem>> -> memref<1x1024xf32, #tpu.memory_space<vmem>>
        %dma_wait3A_695 = arith.constant 0 : i32
        %dma_wait3A_696 = tpu.memref_slice %arg4[%add3A_691, %dma_wait3A_695] : memref<51200x1024xf32, #tpu.memory_space<hbm>> -> memref<1x1024xf32, #tpu.memory_space<hbm>>
        %dma_wait3A_697 = arith.constant 0 : i32
        %dma_wait3A_698 = tpu.memref_slice %arg4[%add3A_691, %dma_wait3A_697] : memref<51200x1024xf32, #tpu.memory_space<hbm>> -> memref<1x1024xf32, #tpu.memory_space<hbm>>
        %dma_wait3A_699 = arith.constant 7 : i32
        %dma_wait3A_700 = arith.constant 0 : i32
        %dma_wait3A_701 = tpu.memref_slice %arg8[%dma_wait3A_699, %dma_wait3A_700] : memref<8x1024xf32, #tpu.memory_space<vmem>> -> memref<1x1024xf32, #tpu.memory_space<vmem>>
        tpu.wait_dma2 semaphore(%arg12 : memref<!tpu.dma_semaphore, #tpu.memory_space<semaphore_mem>>) src(%dma_wait3A_701 : memref<1x1024xf32, #tpu.memory_space<vmem>>) dst(%dma_wait3A_698 : memref<1x1024xf32, #tpu.memory_space<hbm>>)
      } else {
      }
      %parallel_loop3A = arith.constant 0 : i32
      %parallel_loop3A_260 = arith.constant 64 : i32
      %parallel_loop3A_261 = arith.constant 1 : i32
      scf.for %parallel_loop3A_566 = %parallel_loop3A to %parallel_loop3A_260 step %parallel_loop3A_261  : i32 {
        %parallel_loop3A_567 = arith.constant 3 : i32
        %parallel_loop3A_568 = arith.shrui %parallel_loop3A_566, %parallel_loop3A_567 : i32
        %parallel_loop3A_569 = arith.constant 7 : i32
        %parallel_loop3A_570 = arith.andi %parallel_loop3A_566, %parallel_loop3A_569 : i32
        %parallel_loop3A_571 = arith.constant 7 : i32
        %parallel_loop3A_572 = arith.shli %parallel_loop3A_570, %parallel_loop3A_571 : i32
        %parallel_loop3A_573 = arith.constant 0 : i32
        %parallel_loop3A_574 = vector.broadcast %parallel_loop3A_573 : i32 to vector<16xi32>
        %parallel_loop3A_575 = vector.broadcast %parallel_loop3A_566 : i32 to vector<16xi32>
        %parallel_loop3A_576 = arith.addi %parallel_loop3A_574, %parallel_loop3A_575 : vector<16xi32>
        %parallel_loop3A_577 = tpu.vector_load_idx %arg6[%add3A_10, %parallel_loop3A_576] : memref<128x72xf32, #tpu.memory_space<vmem>>[vector<16xi32>, vector<16xi32>], vector<16xf32>,
        %parallel_loop3A_578 = arith.constant 0 : i32
        %parallel_loop3A_579 = arith.addi %parallel_loop3A_572, %parallel_loop3A_578 : i32
        %parallel_loop3A_580 = arith.index_cast %parallel_loop3A_568 : i32 to index
        %parallel_loop3A_581 = arith.index_cast %parallel_loop3A_579 : i32 to index
        %parallel_loop3A_582 = tpu.vector_load %arg8[%parallel_loop3A_580, %parallel_loop3A_581] {strides = array<i32>} : memref<8x1024xf32, #tpu.memory_space<vmem>>, vector<16xf32>,
        tpu.vector_store %arg8[%parallel_loop3A_580, %parallel_loop3A_581], %parallel_loop3A_577 {strides = array<i32>} : memref<8x1024xf32, #tpu.memory_space<vmem>>, vector<16xf32>,
        %parallel_loop3A_583 = tpu.vector_load_idx %arg6[%add3A_13, %parallel_loop3A_576] : memref<128x72xf32, #tpu.memory_space<vmem>>[vector<16xi32>, vector<16xi32>], vector<16xf32>,
        %parallel_loop3A_584 = arith.constant 16 : i32
        %parallel_loop3A_585 = arith.addi %parallel_loop3A_572, %parallel_loop3A_584 : i32
        %parallel_loop3A_586 = arith.index_cast %parallel_loop3A_568 : i32 to index
        %parallel_loop3A_587 = arith.index_cast %parallel_loop3A_585 : i32 to index
        %parallel_loop3A_588 = tpu.vector_load %arg8[%parallel_loop3A_586, %parallel_loop3A_587] {strides = array<i32>} : memref<8x1024xf32, #tpu.memory_space<vmem>>, vector<16xf32>,
        tpu.vector_store %arg8[%parallel_loop3A_586, %parallel_loop3A_587], %parallel_loop3A_583 {strides = array<i32>} : memref<8x1024xf32, #tpu.memory_space<vmem>>, vector<16xf32>,
        %parallel_loop3A_589 = tpu.vector_load_idx %arg6[%add3A_16, %parallel_loop3A_576] : memref<128x72xf32, #tpu.memory_space<vmem>>[vector<16xi32>, vector<16xi32>], vector<16xf32>,
        %parallel_loop3A_590 = arith.constant 32 : i32
        %parallel_loop3A_591 = arith.addi %parallel_loop3A_572, %parallel_loop3A_590 : i32
        %parallel_loop3A_592 = arith.index_cast %parallel_loop3A_568 : i32 to index
        %parallel_loop3A_593 = arith.index_cast %parallel_loop3A_591 : i32 to index
        %parallel_loop3A_594 = tpu.vector_load %arg8[%parallel_loop3A_592, %parallel_loop3A_593] {strides = array<i32>} : memref<8x1024xf32, #tpu.memory_space<vmem>>, vector<16xf32>,
        tpu.vector_store %arg8[%parallel_loop3A_592, %parallel_loop3A_593], %parallel_loop3A_589 {strides = array<i32>} : memref<8x1024xf32, #tpu.memory_space<vmem>>, vector<16xf32>,
        %parallel_loop3A_595 = tpu.vector_load_idx %arg6[%add3A_19, %parallel_loop3A_576] : memref<128x72xf32, #tpu.memory_space<vmem>>[vector<16xi32>, vector<16xi32>], vector<16xf32>,
        %parallel_loop3A_596 = arith.constant 48 : i32
        %parallel_loop3A_597 = arith.addi %parallel_loop3A_572, %parallel_loop3A_596 : i32
        %parallel_loop3A_598 = arith.index_cast %parallel_loop3A_568 : i32 to index
        %parallel_loop3A_599 = arith.index_cast %parallel_loop3A_597 : i32 to index
        %parallel_loop3A_600 = tpu.vector_load %arg8[%parallel_loop3A_598, %parallel_loop3A_599] {strides = array<i32>} : memref<8x1024xf32, #tpu.memory_space<vmem>>, vector<16xf32>,
        tpu.vector_store %arg8[%parallel_loop3A_598, %parallel_loop3A_599], %parallel_loop3A_595 {strides = array<i32>} : memref<8x1024xf32, #tpu.memory_space<vmem>>, vector<16xf32>,
        %parallel_loop3A_601 = tpu.vector_load_idx %arg6[%add3A_22, %parallel_loop3A_576] : memref<128x72xf32, #tpu.memory_space<vmem>>[vector<16xi32>, vector<16xi32>], vector<16xf32>,
        %parallel_loop3A_602 = arith.constant 64 : i32
        %parallel_loop3A_603 = arith.addi %parallel_loop3A_572, %parallel_loop3A_602 : i32
        %parallel_loop3A_604 = arith.index_cast %parallel_loop3A_568 : i32 to index
        %parallel_loop3A_605 = arith.index_cast %parallel_loop3A_603 : i32 to index
        %parallel_loop3A_606 = tpu.vector_load %arg8[%parallel_loop3A_604, %parallel_loop3A_605] {strides = array<i32>} : memref<8x1024xf32, #tpu.memory_space<vmem>>, vector<16xf32>,
        tpu.vector_store %arg8[%parallel_loop3A_604, %parallel_loop3A_605], %parallel_loop3A_601 {strides = array<i32>} : memref<8x1024xf32, #tpu.memory_space<vmem>>, vector<16xf32>,
        %parallel_loop3A_607 = tpu.vector_load_idx %arg6[%add3A_25, %parallel_loop3A_576] : memref<128x72xf32, #tpu.memory_space<vmem>>[vector<16xi32>, vector<16xi32>], vector<16xf32>,
        %parallel_loop3A_608 = arith.constant 80 : i32
        %parallel_loop3A_609 = arith.addi %parallel_loop3A_572, %parallel_loop3A_608 : i32
        %parallel_loop3A_610 = arith.index_cast %parallel_loop3A_568 : i32 to index
        %parallel_loop3A_611 = arith.index_cast %parallel_loop3A_609 : i32 to index
        %parallel_loop3A_612 = tpu.vector_load %arg8[%parallel_loop3A_610, %parallel_loop3A_611] {strides = array<i32>} : memref<8x1024xf32, #tpu.memory_space<vmem>>, vector<16xf32>,
        tpu.vector_store %arg8[%parallel_loop3A_610, %parallel_loop3A_611], %parallel_loop3A_607 {strides = array<i32>} : memref<8x1024xf32, #tpu.memory_space<vmem>>, vector<16xf32>,
        %parallel_loop3A_613 = tpu.vector_load_idx %arg6[%add3A_28, %parallel_loop3A_576] : memref<128x72xf32, #tpu.memory_space<vmem>>[vector<16xi32>, vector<16xi32>], vector<16xf32>,
        %parallel_loop3A_614 = arith.constant 96 : i32
        %parallel_loop3A_615 = arith.addi %parallel_loop3A_572, %parallel_loop3A_614 : i32
        %parallel_loop3A_616 = arith.index_cast %parallel_loop3A_568 : i32 to index
        %parallel_loop3A_617 = arith.index_cast %parallel_loop3A_615 : i32 to index
        %parallel_loop3A_618 = tpu.vector_load %arg8[%parallel_loop3A_616, %parallel_loop3A_617] {strides = array<i32>} : memref<8x1024xf32, #tpu.memory_space<vmem>>, vector<16xf32>,
        tpu.vector_store %arg8[%parallel_loop3A_616, %parallel_loop3A_617], %parallel_loop3A_613 {strides = array<i32>} : memref<8x1024xf32, #tpu.memory_space<vmem>>, vector<16xf32>,
        %parallel_loop3A_619 = tpu.vector_load_idx %arg6[%add3A_31, %parallel_loop3A_576] : memref<128x72xf32, #tpu.memory_space<vmem>>[vector<16xi32>, vector<16xi32>], vector<16xf32>,
        %parallel_loop3A_620 = arith.constant 112 : i32
        %parallel_loop3A_621 = arith.addi %parallel_loop3A_572, %parallel_loop3A_620 : i32
        %parallel_loop3A_622 = arith.index_cast %parallel_loop3A_568 : i32 to index
        %parallel_loop3A_623 = arith.index_cast %parallel_loop3A_621 : i32 to index
        %parallel_loop3A_624 = tpu.vector_load %arg8[%parallel_loop3A_622, %parallel_loop3A_623] {strides = array<i32>} : memref<8x1024xf32, #tpu.memory_space<vmem>>, vector<16xf32>,
        tpu.vector_store %arg8[%parallel_loop3A_622, %parallel_loop3A_623], %parallel_loop3A_619 {strides = array<i32>} : memref<8x1024xf32, #tpu.memory_space<vmem>>, vector<16xf32>,
      } {sc.loop_unroll_factor = 4 : i64, sc.parallel_access}
      %mul3A_262 = arith.constant 8 : i32
      %mul3A_263 = arith.muli %add3A_248, %mul3A_262 : i32
      %mul3A_264 = arith.constant 32 : i32
      %mul3A_265 = arith.muli %mul3A_263, %mul3A_264 : i32
      %add3A_266 = arith.constant 0 : i32
      %add3A_267 = arith.addi %mul3A_265, %add3A_266 : i32
      %add3A_268 = arith.addi %add3A_267, %add3A : i32
      %dma_start3A_269 = arith.constant 0 : i32
      %dma_start3A_270 = arith.constant 0 : i32
      %dma_start3A_271 = tpu.memref_slice %arg8[%dma_start3A_269, %dma_start3A_270] : memref<8x1024xf32, #tpu.memory_space<vmem>> -> memref<1x1024xf32, #tpu.memory_space<vmem>>
      %dma_start3A_272 = arith.constant 0 : i32
      %dma_start3A_273 = tpu.memref_slice %arg4[%add3A_268, %dma_start3A_272] : memref<51200x1024xf32, #tpu.memory_space<hbm>> -> memref<1x1024xf32, #tpu.memory_space<hbm>>
      %dma_start3A_274 = arith.constant 0 : i32
      %dma_start3A_275 = tpu.memref_slice %arg4[%add3A_268, %dma_start3A_274] : memref<51200x1024xf32, #tpu.memory_space<hbm>> -> memref<1x1024xf32, #tpu.memory_space<hbm>>
      %dma_start3A_276 = arith.constant 0 : i32
      %dma_start3A_277 = arith.constant 0 : i32
      %dma_start3A_278 = tpu.memref_slice %arg8[%dma_start3A_276, %dma_start3A_277] : memref<8x1024xf32, #tpu.memory_space<vmem>> -> memref<1x1024xf32, #tpu.memory_space<vmem>>
      tpu.enqueue_dma source(%dma_start3A_278 : memref<1x1024xf32, #tpu.memory_space<vmem>>) target(%dma_start3A_275 : memref<1x1024xf32, #tpu.memory_space<hbm>>) target_semaphore(%arg12 : memref<!tpu.dma_semaphore, #tpu.memory_space<semaphore_mem>>)
      %mul3A_279 = arith.constant 8 : i32
      %mul3A_280 = arith.muli %add3A_248, %mul3A_279 : i32
      %mul3A_281 = arith.constant 32 : i32
      %mul3A_282 = arith.muli %mul3A_280, %mul3A_281 : i32
      %add3A_283 = arith.constant 32 : i32
      %add3A_284 = arith.addi %mul3A_282, %add3A_283 : i32
      %add3A_285 = arith.addi %add3A_284, %add3A : i32
      %dma_start3A_286 = arith.constant 1 : i32
      %dma_start3A_287 = arith.constant 0 : i32
      %dma_start3A_288 = tpu.memref_slice %arg8[%dma_start3A_286, %dma_start3A_287] : memref<8x1024xf32, #tpu.memory_space<vmem>> -> memref<1x1024xf32, #tpu.memory_space<vmem>>
      %dma_start3A_289 = arith.constant 0 : i32
      %dma_start3A_290 = tpu.memref_slice %arg4[%add3A_285, %dma_start3A_289] : memref<51200x1024xf32, #tpu.memory_space<hbm>> -> memref<1x1024xf32, #tpu.memory_space<hbm>>
      %dma_start3A_291 = arith.constant 0 : i32
      %dma_start3A_292 = tpu.memref_slice %arg4[%add3A_285, %dma_start3A_291] : memref<51200x1024xf32, #tpu.memory_space<hbm>> -> memref<1x1024xf32, #tpu.memory_space<hbm>>
      %dma_start3A_293 = arith.constant 1 : i32
      %dma_start3A_294 = arith.constant 0 : i32
      %dma_start3A_295 = tpu.memref_slice %arg8[%dma_start3A_293, %dma_start3A_294] : memref<8x1024xf32, #tpu.memory_space<vmem>> -> memref<1x1024xf32, #tpu.memory_space<vmem>>
      tpu.enqueue_dma source(%dma_start3A_295 : memref<1x1024xf32, #tpu.memory_space<vmem>>) target(%dma_start3A_292 : memref<1x1024xf32, #tpu.memory_space<hbm>>) target_semaphore(%arg12 : memref<!tpu.dma_semaphore, #tpu.memory_space<semaphore_mem>>)
      %mul3A_296 = arith.constant 8 : i32
      %mul3A_297 = arith.muli %add3A_248, %mul3A_296 : i32
      %mul3A_298 = arith.constant 32 : i32
      %mul3A_299 = arith.muli %mul3A_297, %mul3A_298 : i32
      %add3A_300 = arith.constant 64 : i32
      %add3A_301 = arith.addi %mul3A_299, %add3A_300 : i32
      %add3A_302 = arith.addi %add3A_301, %add3A : i32
      %dma_start3A_303 = arith.constant 2 : i32
      %dma_start3A_304 = arith.constant 0 : i32
      %dma_start3A_305 = tpu.memref_slice %arg8[%dma_start3A_303, %dma_start3A_304] : memref<8x1024xf32, #tpu.memory_space<vmem>> -> memref<1x1024xf32, #tpu.memory_space<vmem>>
      %dma_start3A_306 = arith.constant 0 : i32
      %dma_start3A_307 = tpu.memref_slice %arg4[%add3A_302, %dma_start3A_306] : memref<51200x1024xf32, #tpu.memory_space<hbm>> -> memref<1x1024xf32, #tpu.memory_space<hbm>>
      %dma_start3A_308 = arith.constant 0 : i32
      %dma_start3A_309 = tpu.memref_slice %arg4[%add3A_302, %dma_start3A_308] : memref<51200x1024xf32, #tpu.memory_space<hbm>> -> memref<1x1024xf32, #tpu.memory_space<hbm>>
      %dma_start3A_310 = arith.constant 2 : i32
      %dma_start3A_311 = arith.constant 0 : i32
      %dma_start3A_312 = tpu.memref_slice %arg8[%dma_start3A_310, %dma_start3A_311] : memref<8x1024xf32, #tpu.memory_space<vmem>> -> memref<1x1024xf32, #tpu.memory_space<vmem>>
      tpu.enqueue_dma source(%dma_start3A_312 : memref<1x1024xf32, #tpu.memory_space<vmem>>) target(%dma_start3A_309 : memref<1x1024xf32, #tpu.memory_space<hbm>>) target_semaphore(%arg12 : memref<!tpu.dma_semaphore, #tpu.memory_space<semaphore_mem>>)
      %mul3A_313 = arith.constant 8 : i32
      %mul3A_314 = arith.muli %add3A_248, %mul3A_313 : i32
      %mul3A_315 = arith.constant 32 : i32
      %mul3A_316 = arith.muli %mul3A_314, %mul3A_315 : i32
      %add3A_317 = arith.constant 96 : i32
      %add3A_318 = arith.addi %mul3A_316, %add3A_317 : i32
      %add3A_319 = arith.addi %add3A_318, %add3A : i32
      %dma_start3A_320 = arith.constant 3 : i32
      %dma_start3A_321 = arith.constant 0 : i32
      %dma_start3A_322 = tpu.memref_slice %arg8[%dma_start3A_320, %dma_start3A_321] : memref<8x1024xf32, #tpu.memory_space<vmem>> -> memref<1x1024xf32, #tpu.memory_space<vmem>>
      %dma_start3A_323 = arith.constant 0 : i32
      %dma_start3A_324 = tpu.memref_slice %arg4[%add3A_319, %dma_start3A_323] : memref<51200x1024xf32, #tpu.memory_space<hbm>> -> memref<1x1024xf32, #tpu.memory_space<hbm>>
      %dma_start3A_325 = arith.constant 0 : i32
      %dma_start3A_326 = tpu.memref_slice %arg4[%add3A_319, %dma_start3A_325] : memref<51200x1024xf32, #tpu.memory_space<hbm>> -> memref<1x1024xf32, #tpu.memory_space<hbm>>
      %dma_start3A_327 = arith.constant 3 : i32
      %dma_start3A_328 = arith.constant 0 : i32
      %dma_start3A_329 = tpu.memref_slice %arg8[%dma_start3A_327, %dma_start3A_328] : memref<8x1024xf32, #tpu.memory_space<vmem>> -> memref<1x1024xf32, #tpu.memory_space<vmem>>
      tpu.enqueue_dma source(%dma_start3A_329 : memref<1x1024xf32, #tpu.memory_space<vmem>>) target(%dma_start3A_326 : memref<1x1024xf32, #tpu.memory_space<hbm>>) target_semaphore(%arg12 : memref<!tpu.dma_semaphore, #tpu.memory_space<semaphore_mem>>)
      %mul3A_330 = arith.constant 8 : i32
      %mul3A_331 = arith.muli %add3A_248, %mul3A_330 : i32
      %mul3A_332 = arith.constant 32 : i32
      %mul3A_333 = arith.muli %mul3A_331, %mul3A_332 : i32
      %add3A_334 = arith.constant 128 : i32
      %add3A_335 = arith.addi %mul3A_333, %add3A_334 : i32
      %add3A_336 = arith.addi %add3A_335, %add3A : i32
      %dma_start3A_337 = arith.constant 4 : i32
      %dma_start3A_338 = arith.constant 0 : i32
      %dma_start3A_339 = tpu.memref_slice %arg8[%dma_start3A_337, %dma_start3A_338] : memref<8x1024xf32, #tpu.memory_space<vmem>> -> memref<1x1024xf32, #tpu.memory_space<vmem>>
      %dma_start3A_340 = arith.constant 0 : i32
      %dma_start3A_341 = tpu.memref_slice %arg4[%add3A_336, %dma_start3A_340] : memref<51200x1024xf32, #tpu.memory_space<hbm>> -> memref<1x1024xf32, #tpu.memory_space<hbm>>
      %dma_start3A_342 = arith.constant 0 : i32
      %dma_start3A_343 = tpu.memref_slice %arg4[%add3A_336, %dma_start3A_342] : memref<51200x1024xf32, #tpu.memory_space<hbm>> -> memref<1x1024xf32, #tpu.memory_space<hbm>>
      %dma_start3A_344 = arith.constant 4 : i32
      %dma_start3A_345 = arith.constant 0 : i32
      %dma_start3A_346 = tpu.memref_slice %arg8[%dma_start3A_344, %dma_start3A_345] : memref<8x1024xf32, #tpu.memory_space<vmem>> -> memref<1x1024xf32, #tpu.memory_space<vmem>>
      tpu.enqueue_dma source(%dma_start3A_346 : memref<1x1024xf32, #tpu.memory_space<vmem>>) target(%dma_start3A_343 : memref<1x1024xf32, #tpu.memory_space<hbm>>) target_semaphore(%arg12 : memref<!tpu.dma_semaphore, #tpu.memory_space<semaphore_mem>>)
      %mul3A_347 = arith.constant 8 : i32
      %mul3A_348 = arith.muli %add3A_248, %mul3A_347 : i32
      %mul3A_349 = arith.constant 32 : i32
      %mul3A_350 = arith.muli %mul3A_348, %mul3A_349 : i32
      %add3A_351 = arith.constant 160 : i32
      %add3A_352 = arith.addi %mul3A_350, %add3A_351 : i32
      %add3A_353 = arith.addi %add3A_352, %add3A : i32
      %dma_start3A_354 = arith.constant 5 : i32
      %dma_start3A_355 = arith.constant 0 : i32
      %dma_start3A_356 = tpu.memref_slice %arg8[%dma_start3A_354, %dma_start3A_355] : memref<8x1024xf32, #tpu.memory_space<vmem>> -> memref<1x1024xf32, #tpu.memory_space<vmem>>
      %dma_start3A_357 = arith.constant 0 : i32
      %dma_start3A_358 = tpu.memref_slice %arg4[%add3A_353, %dma_start3A_357] : memref<51200x1024xf32, #tpu.memory_space<hbm>> -> memref<1x1024xf32, #tpu.memory_space<hbm>>
      %dma_start3A_359 = arith.constant 0 : i32
      %dma_start3A_360 = tpu.memref_slice %arg4[%add3A_353, %dma_start3A_359] : memref<51200x1024xf32, #tpu.memory_space<hbm>> -> memref<1x1024xf32, #tpu.memory_space<hbm>>
      %dma_start3A_361 = arith.constant 5 : i32
      %dma_start3A_362 = arith.constant 0 : i32
      %dma_start3A_363 = tpu.memref_slice %arg8[%dma_start3A_361, %dma_start3A_362] : memref<8x1024xf32, #tpu.memory_space<vmem>> -> memref<1x1024xf32, #tpu.memory_space<vmem>>
      tpu.enqueue_dma source(%dma_start3A_363 : memref<1x1024xf32, #tpu.memory_space<vmem>>) target(%dma_start3A_360 : memref<1x1024xf32, #tpu.memory_space<hbm>>) target_semaphore(%arg12 : memref<!tpu.dma_semaphore, #tpu.memory_space<semaphore_mem>>)
      %mul3A_364 = arith.constant 8 : i32
      %mul3A_365 = arith.muli %add3A_248, %mul3A_364 : i32
      %mul3A_366 = arith.constant 32 : i32
      %mul3A_367 = arith.muli %mul3A_365, %mul3A_366 : i32
      %add3A_368 = arith.constant 192 : i32
      %add3A_369 = arith.addi %mul3A_367, %add3A_368 : i32
      %add3A_370 = arith.addi %add3A_369, %add3A : i32
      %dma_start3A_371 = arith.constant 6 : i32
      %dma_start3A_372 = arith.constant 0 : i32
      %dma_start3A_373 = tpu.memref_slice %arg8[%dma_start3A_371, %dma_start3A_372] : memref<8x1024xf32, #tpu.memory_space<vmem>> -> memref<1x1024xf32, #tpu.memory_space<vmem>>
      %dma_start3A_374 = arith.constant 0 : i32
      %dma_start3A_375 = tpu.memref_slice %arg4[%add3A_370, %dma_start3A_374] : memref<51200x1024xf32, #tpu.memory_space<hbm>> -> memref<1x1024xf32, #tpu.memory_space<hbm>>
      %dma_start3A_376 = arith.constant 0 : i32
      %dma_start3A_377 = tpu.memref_slice %arg4[%add3A_370, %dma_start3A_376] : memref<51200x1024xf32, #tpu.memory_space<hbm>> -> memref<1x1024xf32, #tpu.memory_space<hbm>>
      %dma_start3A_378 = arith.constant 6 : i32
      %dma_start3A_379 = arith.constant 0 : i32
      %dma_start3A_380 = tpu.memref_slice %arg8[%dma_start3A_378, %dma_start3A_379] : memref<8x1024xf32, #tpu.memory_space<vmem>> -> memref<1x1024xf32, #tpu.memory_space<vmem>>
      tpu.enqueue_dma source(%dma_start3A_380 : memref<1x1024xf32, #tpu.memory_space<vmem>>) target(%dma_start3A_377 : memref<1x1024xf32, #tpu.memory_space<hbm>>) target_semaphore(%arg12 : memref<!tpu.dma_semaphore, #tpu.memory_space<semaphore_mem>>)
      %mul3A_381 = arith.constant 8 : i32
      %mul3A_382 = arith.muli %add3A_248, %mul3A_381 : i32
      %mul3A_383 = arith.constant 32 : i32
      %mul3A_384 = arith.muli %mul3A_382, %mul3A_383 : i32
      %add3A_385 = arith.constant 224 : i32
      %add3A_386 = arith.addi %mul3A_384, %add3A_385 : i32
      %add3A_387 = arith.addi %add3A_386, %add3A : i32
      %dma_start3A_388 = arith.constant 7 : i32
      %dma_start3A_389 = arith.constant 0 : i32
      %dma_start3A_390 = tpu.memref_slice %arg8[%dma_start3A_388, %dma_start3A_389] : memref<8x1024xf32, #tpu.memory_space<vmem>> -> memref<1x1024xf32, #tpu.memory_space<vmem>>
      %dma_start3A_391 = arith.constant 0 : i32
      %dma_start3A_392 = tpu.memref_slice %arg4[%add3A_387, %dma_start3A_391] : memref<51200x1024xf32, #tpu.memory_space<hbm>> -> memref<1x1024xf32, #tpu.memory_space<hbm>>
      %dma_start3A_393 = arith.constant 0 : i32
      %dma_start3A_394 = tpu.memref_slice %arg4[%add3A_387, %dma_start3A_393] : memref<51200x1024xf32, #tpu.memory_space<hbm>> -> memref<1x1024xf32, #tpu.memory_space<hbm>>
      %dma_start3A_395 = arith.constant 7 : i32
      %dma_start3A_396 = arith.constant 0 : i32
      %dma_start3A_397 = tpu.memref_slice %arg8[%dma_start3A_395, %dma_start3A_396] : memref<8x1024xf32, #tpu.memory_space<vmem>> -> memref<1x1024xf32, #tpu.memory_space<vmem>>
      tpu.enqueue_dma source(%dma_start3A_397 : memref<1x1024xf32, #tpu.memory_space<vmem>>) target(%dma_start3A_394 : memref<1x1024xf32, #tpu.memory_space<hbm>>) target_semaphore(%arg12 : memref<!tpu.dma_semaphore, #tpu.memory_space<semaphore_mem>>)
      %add3A_398 = arith.constant 2 : i32
      %add3A_399 = arith.addi %add3A_248, %add3A_398 : i32
      %lt3A = arith.constant 200 : i32
      %lt3A_400 = arith.cmpi slt, %add3A_399, %lt3A : i32
      %convert_element_type3A_401 = arith.extui %lt3A_400 : i1 to i32
      %cond3A_402 = arith.constant 0 : i32
      %cond3A_403 = arith.cmpi ne, %convert_element_type3A_401, %cond3A_402 : i32
      scf.if %cond3A_403 {
        %add3A_566 = arith.constant 2 : i32
        %add3A_567 = arith.addi %add3A_248, %add3A_566 : i32
        %dma_start3A_568 = arith.constant 0 : i32
        %dma_start3A_569 = arith.constant 0 : i32
        %dma_start3A_570 = tpu.memref_slice %arg5[%dma_start3A_568, %add3A_567, %dma_start3A_569] : memref<1x200x128xi32, #tpu.memory_space<vmem>> -> memref<1x1x128xi32, #tpu.memory_space<vmem>>
        %dma_start3A_571 = tpu.memref_squeeze %dma_start3A_570 : memref<1x1x128xi32, #tpu.memory_space<vmem>> -> memref<128xi32, #tpu.memory_space<vmem>>
        %dma_start3A_572 = arith.constant 0 : i32
        %dma_start3A_573 = arith.constant 0 : i32
        %dma_start3A_574 = tpu.memref_slice %arg14[%dma_start3A_572, %dma_start3A_573] : memref<2048x72xf32, #tpu.memory_space<vmem_shared>> -> memref<2048x72xf32, #tpu.memory_space<vmem_shared>>
        tpu.enqueue_indirect_dma source(%dma_start3A_574 : memref<2048x72xf32, #tpu.memory_space<vmem_shared>>) target(%arg6 : memref<128x72xf32, #tpu.memory_space<vmem>>) offsets(%dma_start3A_571 : memref<128xi32, #tpu.memory_space<vmem>>) semaphore(%arg10 : memref<!tpu.dma_semaphore, #tpu.memory_space<semaphore_mem>>)
      } else {
      }
      %mul3A_404 = arith.constant 2 : i32
      %mul3A_405 = arith.muli %mul3A_404, %scan3A_244 : i32
      %add3A_406 = arith.constant 1 : i32
      %add3A_407 = arith.addi %mul3A_405, %add3A_406 : i32
      %dma_wait3A_408 = arith.constant 0 : i32
      %dma_wait3A_409 = arith.constant 0 : i32
      %dma_wait3A_410 = tpu.memref_slice %arg5[%dma_wait3A_408, %add3A_407, %dma_wait3A_409] : memref<1x200x128xi32, #tpu.memory_space<vmem>> -> memref<1x1x128xi32, #tpu.memory_space<vmem>>
      %dma_wait3A_411 = tpu.memref_squeeze %dma_wait3A_410 : memref<1x1x128xi32, #tpu.memory_space<vmem>> -> memref<128xi32, #tpu.memory_space<vmem>>
      %dma_wait3A_412 = arith.constant 0 : i32
      %dma_wait3A_413 = arith.constant 0 : i32
      %dma_wait3A_414 = tpu.memref_slice %arg14[%dma_wait3A_412, %dma_wait3A_413] : memref<2048x72xf32, #tpu.memory_space<vmem_shared>> -> memref<2048x72xf32, #tpu.memory_space<vmem_shared>>
      tpu.wait_indirect_dma semaphore(%arg11 : memref<!tpu.dma_semaphore, #tpu.memory_space<semaphore_mem>>) src(%dma_wait3A_414 : memref<2048x72xf32, #tpu.memory_space<vmem_shared>>) dst(%arg7 : memref<128x72xf32, #tpu.memory_space<vmem>>)
      %gt3A_415 = arith.constant 0 : i32
      %gt3A_416 = arith.cmpi sgt, %scan3A_244, %gt3A_415 : i32
      %convert_element_type3A_417 = arith.extui %gt3A_416 : i1 to i32
      %cond3A_418 = arith.constant 0 : i32
      %cond3A_419 = arith.cmpi ne, %convert_element_type3A_417, %cond3A_418 : i32
      scf.if %cond3A_419 {
        %mul3A_566 = arith.constant 8 : i32
        %mul3A_567 = arith.muli %add3A_407, %mul3A_566 : i32
        %mul3A_568 = arith.constant 32 : i32
        %mul3A_569 = arith.muli %mul3A_567, %mul3A_568 : i32
        %add3A_570 = arith.constant 0 : i32
        %add3A_571 = arith.addi %mul3A_569, %add3A_570 : i32
        %add3A_572 = arith.addi %add3A_571, %add3A : i32
        %dma_wait3A_573 = arith.constant 0 : i32
        %dma_wait3A_574 = arith.constant 0 : i32
        %dma_wait3A_575 = tpu.memref_slice %arg9[%dma_wait3A_573, %dma_wait3A_574] : memref<8x1024xf32, #tpu.memory_space<vmem>> -> memref<1x1024xf32, #tpu.memory_space<vmem>>
        %dma_wait3A_576 = arith.constant 0 : i32
        %dma_wait3A_577 = tpu.memref_slice %arg4[%add3A_572, %dma_wait3A_576] : memref<51200x1024xf32, #tpu.memory_space<hbm>> -> memref<1x1024xf32, #tpu.memory_space<hbm>>
        %dma_wait3A_578 = arith.constant 0 : i32
        %dma_wait3A_579 = tpu.memref_slice %arg4[%add3A_572, %dma_wait3A_578] : memref<51200x1024xf32, #tpu.memory_space<hbm>> -> memref<1x1024xf32, #tpu.memory_space<hbm>>
        %dma_wait3A_580 = arith.constant 0 : i32
        %dma_wait3A_581 = arith.constant 0 : i32
        %dma_wait3A_582 = tpu.memref_slice %arg9[%dma_wait3A_580, %dma_wait3A_581] : memref<8x1024xf32, #tpu.memory_space<vmem>> -> memref<1x1024xf32, #tpu.memory_space<vmem>>
        tpu.wait_dma2 semaphore(%arg13 : memref<!tpu.dma_semaphore, #tpu.memory_space<semaphore_mem>>) src(%dma_wait3A_582 : memref<1x1024xf32, #tpu.memory_space<vmem>>) dst(%dma_wait3A_579 : memref<1x1024xf32, #tpu.memory_space<hbm>>)
        %mul3A_583 = arith.constant 8 : i32
        %mul3A_584 = arith.muli %add3A_407, %mul3A_583 : i32
        %mul3A_585 = arith.constant 32 : i32
        %mul3A_586 = arith.muli %mul3A_584, %mul3A_585 : i32
        %add3A_587 = arith.constant 32 : i32
        %add3A_588 = arith.addi %mul3A_586, %add3A_587 : i32
        %add3A_589 = arith.addi %add3A_588, %add3A : i32
        %dma_wait3A_590 = arith.constant 1 : i32
        %dma_wait3A_591 = arith.constant 0 : i32
        %dma_wait3A_592 = tpu.memref_slice %arg9[%dma_wait3A_590, %dma_wait3A_591] : memref<8x1024xf32, #tpu.memory_space<vmem>> -> memref<1x1024xf32, #tpu.memory_space<vmem>>
        %dma_wait3A_593 = arith.constant 0 : i32
        %dma_wait3A_594 = tpu.memref_slice %arg4[%add3A_589, %dma_wait3A_593] : memref<51200x1024xf32, #tpu.memory_space<hbm>> -> memref<1x1024xf32, #tpu.memory_space<hbm>>
        %dma_wait3A_595 = arith.constant 0 : i32
        %dma_wait3A_596 = tpu.memref_slice %arg4[%add3A_589, %dma_wait3A_595] : memref<51200x1024xf32, #tpu.memory_space<hbm>> -> memref<1x1024xf32, #tpu.memory_space<hbm>>
        %dma_wait3A_597 = arith.constant 1 : i32
        %dma_wait3A_598 = arith.constant 0 : i32
        %dma_wait3A_599 = tpu.memref_slice %arg9[%dma_wait3A_597, %dma_wait3A_598] : memref<8x1024xf32, #tpu.memory_space<vmem>> -> memref<1x1024xf32, #tpu.memory_space<vmem>>
        tpu.wait_dma2 semaphore(%arg13 : memref<!tpu.dma_semaphore, #tpu.memory_space<semaphore_mem>>) src(%dma_wait3A_599 : memref<1x1024xf32, #tpu.memory_space<vmem>>) dst(%dma_wait3A_596 : memref<1x1024xf32, #tpu.memory_space<hbm>>)
        %mul3A_600 = arith.constant 8 : i32
        %mul3A_601 = arith.muli %add3A_407, %mul3A_600 : i32
        %mul3A_602 = arith.constant 32 : i32
        %mul3A_603 = arith.muli %mul3A_601, %mul3A_602 : i32
        %add3A_604 = arith.constant 64 : i32
        %add3A_605 = arith.addi %mul3A_603, %add3A_604 : i32
        %add3A_606 = arith.addi %add3A_605, %add3A : i32
        %dma_wait3A_607 = arith.constant 2 : i32
        %dma_wait3A_608 = arith.constant 0 : i32
        %dma_wait3A_609 = tpu.memref_slice %arg9[%dma_wait3A_607, %dma_wait3A_608] : memref<8x1024xf32, #tpu.memory_space<vmem>> -> memref<1x1024xf32, #tpu.memory_space<vmem>>
        %dma_wait3A_610 = arith.constant 0 : i32
        %dma_wait3A_611 = tpu.memref_slice %arg4[%add3A_606, %dma_wait3A_610] : memref<51200x1024xf32, #tpu.memory_space<hbm>> -> memref<1x1024xf32, #tpu.memory_space<hbm>>
        %dma_wait3A_612 = arith.constant 0 : i32
        %dma_wait3A_613 = tpu.memref_slice %arg4[%add3A_606, %dma_wait3A_612] : memref<51200x1024xf32, #tpu.memory_space<hbm>> -> memref<1x1024xf32, #tpu.memory_space<hbm>>
        %dma_wait3A_614 = arith.constant 2 : i32
        %dma_wait3A_615 = arith.constant 0 : i32
        %dma_wait3A_616 = tpu.memref_slice %arg9[%dma_wait3A_614, %dma_wait3A_615] : memref<8x1024xf32, #tpu.memory_space<vmem>> -> memref<1x1024xf32, #tpu.memory_space<vmem>>
        tpu.wait_dma2 semaphore(%arg13 : memref<!tpu.dma_semaphore, #tpu.memory_space<semaphore_mem>>) src(%dma_wait3A_616 : memref<1x1024xf32, #tpu.memory_space<vmem>>) dst(%dma_wait3A_613 : memref<1x1024xf32, #tpu.memory_space<hbm>>)
        %mul3A_617 = arith.constant 8 : i32
        %mul3A_618 = arith.muli %add3A_407, %mul3A_617 : i32
        %mul3A_619 = arith.constant 32 : i32
        %mul3A_620 = arith.muli %mul3A_618, %mul3A_619 : i32
        %add3A_621 = arith.constant 96 : i32
        %add3A_622 = arith.addi %mul3A_620, %add3A_621 : i32
        %add3A_623 = arith.addi %add3A_622, %add3A : i32
        %dma_wait3A_624 = arith.constant 3 : i32
        %dma_wait3A_625 = arith.constant 0 : i32
        %dma_wait3A_626 = tpu.memref_slice %arg9[%dma_wait3A_624, %dma_wait3A_625] : memref<8x1024xf32, #tpu.memory_space<vmem>> -> memref<1x1024xf32, #tpu.memory_space<vmem>>
        %dma_wait3A_627 = arith.constant 0 : i32
        %dma_wait3A_628 = tpu.memref_slice %arg4[%add3A_623, %dma_wait3A_627] : memref<51200x1024xf32, #tpu.memory_space<hbm>> -> memref<1x1024xf32, #tpu.memory_space<hbm>>
        %dma_wait3A_629 = arith.constant 0 : i32
        %dma_wait3A_630 = tpu.memref_slice %arg4[%add3A_623, %dma_wait3A_629] : memref<51200x1024xf32, #tpu.memory_space<hbm>> -> memref<1x1024xf32, #tpu.memory_space<hbm>>
        %dma_wait3A_631 = arith.constant 3 : i32
        %dma_wait3A_632 = arith.constant 0 : i32
        %dma_wait3A_633 = tpu.memref_slice %arg9[%dma_wait3A_631, %dma_wait3A_632] : memref<8x1024xf32, #tpu.memory_space<vmem>> -> memref<1x1024xf32, #tpu.memory_space<vmem>>
        tpu.wait_dma2 semaphore(%arg13 : memref<!tpu.dma_semaphore, #tpu.memory_space<semaphore_mem>>) src(%dma_wait3A_633 : memref<1x1024xf32, #tpu.memory_space<vmem>>) dst(%dma_wait3A_630 : memref<1x1024xf32, #tpu.memory_space<hbm>>)
        %mul3A_634 = arith.constant 8 : i32
        %mul3A_635 = arith.muli %add3A_407, %mul3A_634 : i32
        %mul3A_636 = arith.constant 32 : i32
        %mul3A_637 = arith.muli %mul3A_635, %mul3A_636 : i32
        %add3A_638 = arith.constant 128 : i32
        %add3A_639 = arith.addi %mul3A_637, %add3A_638 : i32
        %add3A_640 = arith.addi %add3A_639, %add3A : i32
        %dma_wait3A_641 = arith.constant 4 : i32
        %dma_wait3A_642 = arith.constant 0 : i32
        %dma_wait3A_643 = tpu.memref_slice %arg9[%dma_wait3A_641, %dma_wait3A_642] : memref<8x1024xf32, #tpu.memory_space<vmem>> -> memref<1x1024xf32, #tpu.memory_space<vmem>>
        %dma_wait3A_644 = arith.constant 0 : i32
        %dma_wait3A_645 = tpu.memref_slice %arg4[%add3A_640, %dma_wait3A_644] : memref<51200x1024xf32, #tpu.memory_space<hbm>> -> memref<1x1024xf32, #tpu.memory_space<hbm>>
        %dma_wait3A_646 = arith.constant 0 : i32
        %dma_wait3A_647 = tpu.memref_slice %arg4[%add3A_640, %dma_wait3A_646] : memref<51200x1024xf32, #tpu.memory_space<hbm>> -> memref<1x1024xf32, #tpu.memory_space<hbm>>
        %dma_wait3A_648 = arith.constant 4 : i32
        %dma_wait3A_649 = arith.constant 0 : i32
        %dma_wait3A_650 = tpu.memref_slice %arg9[%dma_wait3A_648, %dma_wait3A_649] : memref<8x1024xf32, #tpu.memory_space<vmem>> -> memref<1x1024xf32, #tpu.memory_space<vmem>>
        tpu.wait_dma2 semaphore(%arg13 : memref<!tpu.dma_semaphore, #tpu.memory_space<semaphore_mem>>) src(%dma_wait3A_650 : memref<1x1024xf32, #tpu.memory_space<vmem>>) dst(%dma_wait3A_647 : memref<1x1024xf32, #tpu.memory_space<hbm>>)
        %mul3A_651 = arith.constant 8 : i32
        %mul3A_652 = arith.muli %add3A_407, %mul3A_651 : i32
        %mul3A_653 = arith.constant 32 : i32
        %mul3A_654 = arith.muli %mul3A_652, %mul3A_653 : i32
        %add3A_655 = arith.constant 160 : i32
        %add3A_656 = arith.addi %mul3A_654, %add3A_655 : i32
        %add3A_657 = arith.addi %add3A_656, %add3A : i32
        %dma_wait3A_658 = arith.constant 5 : i32
        %dma_wait3A_659 = arith.constant 0 : i32
        %dma_wait3A_660 = tpu.memref_slice %arg9[%dma_wait3A_658, %dma_wait3A_659] : memref<8x1024xf32, #tpu.memory_space<vmem>> -> memref<1x1024xf32, #tpu.memory_space<vmem>>
        %dma_wait3A_661 = arith.constant 0 : i32
        %dma_wait3A_662 = tpu.memref_slice %arg4[%add3A_657, %dma_wait3A_661] : memref<51200x1024xf32, #tpu.memory_space<hbm>> -> memref<1x1024xf32, #tpu.memory_space<hbm>>
        %dma_wait3A_663 = arith.constant 0 : i32
        %dma_wait3A_664 = tpu.memref_slice %arg4[%add3A_657, %dma_wait3A_663] : memref<51200x1024xf32, #tpu.memory_space<hbm>> -> memref<1x1024xf32, #tpu.memory_space<hbm>>
        %dma_wait3A_665 = arith.constant 5 : i32
        %dma_wait3A_666 = arith.constant 0 : i32
        %dma_wait3A_667 = tpu.memref_slice %arg9[%dma_wait3A_665, %dma_wait3A_666] : memref<8x1024xf32, #tpu.memory_space<vmem>> -> memref<1x1024xf32, #tpu.memory_space<vmem>>
        tpu.wait_dma2 semaphore(%arg13 : memref<!tpu.dma_semaphore, #tpu.memory_space<semaphore_mem>>) src(%dma_wait3A_667 : memref<1x1024xf32, #tpu.memory_space<vmem>>) dst(%dma_wait3A_664 : memref<1x1024xf32, #tpu.memory_space<hbm>>)
        %mul3A_668 = arith.constant 8 : i32
        %mul3A_669 = arith.muli %add3A_407, %mul3A_668 : i32
        %mul3A_670 = arith.constant 32 : i32
        %mul3A_671 = arith.muli %mul3A_669, %mul3A_670 : i32
        %add3A_672 = arith.constant 192 : i32
        %add3A_673 = arith.addi %mul3A_671, %add3A_672 : i32
        %add3A_674 = arith.addi %add3A_673, %add3A : i32
        %dma_wait3A_675 = arith.constant 6 : i32
        %dma_wait3A_676 = arith.constant 0 : i32
        %dma_wait3A_677 = tpu.memref_slice %arg9[%dma_wait3A_675, %dma_wait3A_676] : memref<8x1024xf32, #tpu.memory_space<vmem>> -> memref<1x1024xf32, #tpu.memory_space<vmem>>
        %dma_wait3A_678 = arith.constant 0 : i32
        %dma_wait3A_679 = tpu.memref_slice %arg4[%add3A_674, %dma_wait3A_678] : memref<51200x1024xf32, #tpu.memory_space<hbm>> -> memref<1x1024xf32, #tpu.memory_space<hbm>>
        %dma_wait3A_680 = arith.constant 0 : i32
        %dma_wait3A_681 = tpu.memref_slice %arg4[%add3A_674, %dma_wait3A_680] : memref<51200x1024xf32, #tpu.memory_space<hbm>> -> memref<1x1024xf32, #tpu.memory_space<hbm>>
        %dma_wait3A_682 = arith.constant 6 : i32
        %dma_wait3A_683 = arith.constant 0 : i32
        %dma_wait3A_684 = tpu.memref_slice %arg9[%dma_wait3A_682, %dma_wait3A_683] : memref<8x1024xf32, #tpu.memory_space<vmem>> -> memref<1x1024xf32, #tpu.memory_space<vmem>>
        tpu.wait_dma2 semaphore(%arg13 : memref<!tpu.dma_semaphore, #tpu.memory_space<semaphore_mem>>) src(%dma_wait3A_684 : memref<1x1024xf32, #tpu.memory_space<vmem>>) dst(%dma_wait3A_681 : memref<1x1024xf32, #tpu.memory_space<hbm>>)
        %mul3A_685 = arith.constant 8 : i32
        %mul3A_686 = arith.muli %add3A_407, %mul3A_685 : i32
        %mul3A_687 = arith.constant 32 : i32
        %mul3A_688 = arith.muli %mul3A_686, %mul3A_687 : i32
        %add3A_689 = arith.constant 224 : i32
        %add3A_690 = arith.addi %mul3A_688, %add3A_689 : i32
        %add3A_691 = arith.addi %add3A_690, %add3A : i32
        %dma_wait3A_692 = arith.constant 7 : i32
        %dma_wait3A_693 = arith.constant 0 : i32
        %dma_wait3A_694 = tpu.memref_slice %arg9[%dma_wait3A_692, %dma_wait3A_693] : memref<8x1024xf32, #tpu.memory_space<vmem>> -> memref<1x1024xf32, #tpu.memory_space<vmem>>
        %dma_wait3A_695 = arith.constant 0 : i32
        %dma_wait3A_696 = tpu.memref_slice %arg4[%add3A_691, %dma_wait3A_695] : memref<51200x1024xf32, #tpu.memory_space<hbm>> -> memref<1x1024xf32, #tpu.memory_space<hbm>>
        %dma_wait3A_697 = arith.constant 0 : i32
        %dma_wait3A_698 = tpu.memref_slice %arg4[%add3A_691, %dma_wait3A_697] : memref<51200x1024xf32, #tpu.memory_space<hbm>> -> memref<1x1024xf32, #tpu.memory_space<hbm>>
        %dma_wait3A_699 = arith.constant 7 : i32
        %dma_wait3A_700 = arith.constant 0 : i32
        %dma_wait3A_701 = tpu.memref_slice %arg9[%dma_wait3A_699, %dma_wait3A_700] : memref<8x1024xf32, #tpu.memory_space<vmem>> -> memref<1x1024xf32, #tpu.memory_space<vmem>>
        tpu.wait_dma2 semaphore(%arg13 : memref<!tpu.dma_semaphore, #tpu.memory_space<semaphore_mem>>) src(%dma_wait3A_701 : memref<1x1024xf32, #tpu.memory_space<vmem>>) dst(%dma_wait3A_698 : memref<1x1024xf32, #tpu.memory_space<hbm>>)
      } else {
      }
      %parallel_loop3A_420 = arith.constant 0 : i32
      %parallel_loop3A_421 = arith.constant 64 : i32
      %parallel_loop3A_422 = arith.constant 1 : i32
      scf.for %parallel_loop3A_566 = %parallel_loop3A_420 to %parallel_loop3A_421 step %parallel_loop3A_422  : i32 {
        %parallel_loop3A_567 = arith.constant 3 : i32
        %parallel_loop3A_568 = arith.shrui %parallel_loop3A_566, %parallel_loop3A_567 : i32
        %parallel_loop3A_569 = arith.constant 7 : i32
        %parallel_loop3A_570 = arith.andi %parallel_loop3A_566, %parallel_loop3A_569 : i32
        %parallel_loop3A_571 = arith.constant 7 : i32
        %parallel_loop3A_572 = arith.shli %parallel_loop3A_570, %parallel_loop3A_571 : i32
        %parallel_loop3A_573 = arith.constant 0 : i32
        %parallel_loop3A_574 = vector.broadcast %parallel_loop3A_573 : i32 to vector<16xi32>
        %parallel_loop3A_575 = vector.broadcast %parallel_loop3A_566 : i32 to vector<16xi32>
        %parallel_loop3A_576 = arith.addi %parallel_loop3A_574, %parallel_loop3A_575 : vector<16xi32>
        %parallel_loop3A_577 = tpu.vector_load_idx %arg7[%add3A_10, %parallel_loop3A_576] : memref<128x72xf32, #tpu.memory_space<vmem>>[vector<16xi32>, vector<16xi32>], vector<16xf32>,
        %parallel_loop3A_578 = arith.constant 0 : i32
        %parallel_loop3A_579 = arith.addi %parallel_loop3A_572, %parallel_loop3A_578 : i32
        %parallel_loop3A_580 = arith.index_cast %parallel_loop3A_568 : i32 to index
        %parallel_loop3A_581 = arith.index_cast %parallel_loop3A_579 : i32 to index
        %parallel_loop3A_582 = tpu.vector_load %arg9[%parallel_loop3A_580, %parallel_loop3A_581] {strides = array<i32>} : memref<8x1024xf32, #tpu.memory_space<vmem>>, vector<16xf32>,
        tpu.vector_store %arg9[%parallel_loop3A_580, %parallel_loop3A_581], %parallel_loop3A_577 {strides = array<i32>} : memref<8x1024xf32, #tpu.memory_space<vmem>>, vector<16xf32>,
        %parallel_loop3A_583 = tpu.vector_load_idx %arg7[%add3A_13, %parallel_loop3A_576] : memref<128x72xf32, #tpu.memory_space<vmem>>[vector<16xi32>, vector<16xi32>], vector<16xf32>,
        %parallel_loop3A_584 = arith.constant 16 : i32
        %parallel_loop3A_585 = arith.addi %parallel_loop3A_572, %parallel_loop3A_584 : i32
        %parallel_loop3A_586 = arith.index_cast %parallel_loop3A_568 : i32 to index
        %parallel_loop3A_587 = arith.index_cast %parallel_loop3A_585 : i32 to index
        %parallel_loop3A_588 = tpu.vector_load %arg9[%parallel_loop3A_586, %parallel_loop3A_587] {strides = array<i32>} : memref<8x1024xf32, #tpu.memory_space<vmem>>, vector<16xf32>,
        tpu.vector_store %arg9[%parallel_loop3A_586, %parallel_loop3A_587], %parallel_loop3A_583 {strides = array<i32>} : memref<8x1024xf32, #tpu.memory_space<vmem>>, vector<16xf32>,
        %parallel_loop3A_589 = tpu.vector_load_idx %arg7[%add3A_16, %parallel_loop3A_576] : memref<128x72xf32, #tpu.memory_space<vmem>>[vector<16xi32>, vector<16xi32>], vector<16xf32>,
        %parallel_loop3A_590 = arith.constant 32 : i32
        %parallel_loop3A_591 = arith.addi %parallel_loop3A_572, %parallel_loop3A_590 : i32
        %parallel_loop3A_592 = arith.index_cast %parallel_loop3A_568 : i32 to index
        %parallel_loop3A_593 = arith.index_cast %parallel_loop3A_591 : i32 to index
        %parallel_loop3A_594 = tpu.vector_load %arg9[%parallel_loop3A_592, %parallel_loop3A_593] {strides = array<i32>} : memref<8x1024xf32, #tpu.memory_space<vmem>>, vector<16xf32>,
        tpu.vector_store %arg9[%parallel_loop3A_592, %parallel_loop3A_593], %parallel_loop3A_589 {strides = array<i32>} : memref<8x1024xf32, #tpu.memory_space<vmem>>, vector<16xf32>,
        %parallel_loop3A_595 = tpu.vector_load_idx %arg7[%add3A_19, %parallel_loop3A_576] : memref<128x72xf32, #tpu.memory_space<vmem>>[vector<16xi32>, vector<16xi32>], vector<16xf32>,
        %parallel_loop3A_596 = arith.constant 48 : i32
        %parallel_loop3A_597 = arith.addi %parallel_loop3A_572, %parallel_loop3A_596 : i32
        %parallel_loop3A_598 = arith.index_cast %parallel_loop3A_568 : i32 to index
        %parallel_loop3A_599 = arith.index_cast %parallel_loop3A_597 : i32 to index
        %parallel_loop3A_600 = tpu.vector_load %arg9[%parallel_loop3A_598, %parallel_loop3A_599] {strides = array<i32>} : memref<8x1024xf32, #tpu.memory_space<vmem>>, vector<16xf32>,
        tpu.vector_store %arg9[%parallel_loop3A_598, %parallel_loop3A_599], %parallel_loop3A_595 {strides = array<i32>} : memref<8x1024xf32, #tpu.memory_space<vmem>>, vector<16xf32>,
        %parallel_loop3A_601 = tpu.vector_load_idx %arg7[%add3A_22, %parallel_loop3A_576] : memref<128x72xf32, #tpu.memory_space<vmem>>[vector<16xi32>, vector<16xi32>], vector<16xf32>,
        %parallel_loop3A_602 = arith.constant 64 : i32
        %parallel_loop3A_603 = arith.addi %parallel_loop3A_572, %parallel_loop3A_602 : i32
        %parallel_loop3A_604 = arith.index_cast %parallel_loop3A_568 : i32 to index
        %parallel_loop3A_605 = arith.index_cast %parallel_loop3A_603 : i32 to index
        %parallel_loop3A_606 = tpu.vector_load %arg9[%parallel_loop3A_604, %parallel_loop3A_605] {strides = array<i32>} : memref<8x1024xf32, #tpu.memory_space<vmem>>, vector<16xf32>,
        tpu.vector_store %arg9[%parallel_loop3A_604, %parallel_loop3A_605], %parallel_loop3A_601 {strides = array<i32>} : memref<8x1024xf32, #tpu.memory_space<vmem>>, vector<16xf32>,
        %parallel_loop3A_607 = tpu.vector_load_idx %arg7[%add3A_25, %parallel_loop3A_576] : memref<128x72xf32, #tpu.memory_space<vmem>>[vector<16xi32>, vector<16xi32>], vector<16xf32>,
        %parallel_loop3A_608 = arith.constant 80 : i32
        %parallel_loop3A_609 = arith.addi %parallel_loop3A_572, %parallel_loop3A_608 : i32
        %parallel_loop3A_610 = arith.index_cast %parallel_loop3A_568 : i32 to index
        %parallel_loop3A_611 = arith.index_cast %parallel_loop3A_609 : i32 to index
        %parallel_loop3A_612 = tpu.vector_load %arg9[%parallel_loop3A_610, %parallel_loop3A_611] {strides = array<i32>} : memref<8x1024xf32, #tpu.memory_space<vmem>>, vector<16xf32>,
        tpu.vector_store %arg9[%parallel_loop3A_610, %parallel_loop3A_611], %parallel_loop3A_607 {strides = array<i32>} : memref<8x1024xf32, #tpu.memory_space<vmem>>, vector<16xf32>,
        %parallel_loop3A_613 = tpu.vector_load_idx %arg7[%add3A_28, %parallel_loop3A_576] : memref<128x72xf32, #tpu.memory_space<vmem>>[vector<16xi32>, vector<16xi32>], vector<16xf32>,
        %parallel_loop3A_614 = arith.constant 96 : i32
        %parallel_loop3A_615 = arith.addi %parallel_loop3A_572, %parallel_loop3A_614 : i32
        %parallel_loop3A_616 = arith.index_cast %parallel_loop3A_568 : i32 to index
        %parallel_loop3A_617 = arith.index_cast %parallel_loop3A_615 : i32 to index
        %parallel_loop3A_618 = tpu.vector_load %arg9[%parallel_loop3A_616, %parallel_loop3A_617] {strides = array<i32>} : memref<8x1024xf32, #tpu.memory_space<vmem>>, vector<16xf32>,
        tpu.vector_store %arg9[%parallel_loop3A_616, %parallel_loop3A_617], %parallel_loop3A_613 {strides = array<i32>} : memref<8x1024xf32, #tpu.memory_space<vmem>>, vector<16xf32>,
        %parallel_loop3A_619 = tpu.vector_load_idx %arg7[%add3A_31, %parallel_loop3A_576] : memref<128x72xf32, #tpu.memory_space<vmem>>[vector<16xi32>, vector<16xi32>], vector<16xf32>,
        %parallel_loop3A_620 = arith.constant 112 : i32
        %parallel_loop3A_621 = arith.addi %parallel_loop3A_572, %parallel_loop3A_620 : i32
        %parallel_loop3A_622 = arith.index_cast %parallel_loop3A_568 : i32 to index
        %parallel_loop3A_623 = arith.index_cast %parallel_loop3A_621 : i32 to index
        %parallel_loop3A_624 = tpu.vector_load %arg9[%parallel_loop3A_622, %parallel_loop3A_623] {strides = array<i32>} : memref<8x1024xf32, #tpu.memory_space<vmem>>, vector<16xf32>,
        tpu.vector_store %arg9[%parallel_loop3A_622, %parallel_loop3A_623], %parallel_loop3A_619 {strides = array<i32>} : memref<8x1024xf32, #tpu.memory_space<vmem>>, vector<16xf32>,
      } {sc.loop_unroll_factor = 4 : i64, sc.parallel_access}
      %mul3A_423 = arith.constant 8 : i32
      %mul3A_424 = arith.muli %add3A_407, %mul3A_423 : i32
      %mul3A_425 = arith.constant 32 : i32
      %mul3A_426 = arith.muli %mul3A_424, %mul3A_425 : i32
      %add3A_427 = arith.constant 0 : i32
      %add3A_428 = arith.addi %mul3A_426, %add3A_427 : i32
      %add3A_429 = arith.addi %add3A_428, %add3A : i32
      %dma_start3A_430 = arith.constant 0 : i32
      %dma_start3A_431 = arith.constant 0 : i32
      %dma_start3A_432 = tpu.memref_slice %arg9[%dma_start3A_430, %dma_start3A_431] : memref<8x1024xf32, #tpu.memory_space<vmem>> -> memref<1x1024xf32, #tpu.memory_space<vmem>>
      %dma_start3A_433 = arith.constant 0 : i32
      %dma_start3A_434 = tpu.memref_slice %arg4[%add3A_429, %dma_start3A_433] : memref<51200x1024xf32, #tpu.memory_space<hbm>> -> memref<1x1024xf32, #tpu.memory_space<hbm>>
      %dma_start3A_435 = arith.constant 0 : i32
      %dma_start3A_436 = tpu.memref_slice %arg4[%add3A_429, %dma_start3A_435] : memref<51200x1024xf32, #tpu.memory_space<hbm>> -> memref<1x1024xf32, #tpu.memory_space<hbm>>
      %dma_start3A_437 = arith.constant 0 : i32
      %dma_start3A_438 = arith.constant 0 : i32
      %dma_start3A_439 = tpu.memref_slice %arg9[%dma_start3A_437, %dma_start3A_438] : memref<8x1024xf32, #tpu.memory_space<vmem>> -> memref<1x1024xf32, #tpu.memory_space<vmem>>
      tpu.enqueue_dma source(%dma_start3A_439 : memref<1x1024xf32, #tpu.memory_space<vmem>>) target(%dma_start3A_436 : memref<1x1024xf32, #tpu.memory_space<hbm>>) target_semaphore(%arg13 : memref<!tpu.dma_semaphore, #tpu.memory_space<semaphore_mem>>)
      %mul3A_440 = arith.constant 8 : i32
      %mul3A_441 = arith.muli %add3A_407, %mul3A_440 : i32
      %mul3A_442 = arith.constant 32 : i32
      %mul3A_443 = arith.muli %mul3A_441, %mul3A_442 : i32
      %add3A_444 = arith.constant 32 : i32
      %add3A_445 = arith.addi %mul3A_443, %add3A_444 : i32
      %add3A_446 = arith.addi %add3A_445, %add3A : i32
      %dma_start3A_447 = arith.constant 1 : i32
      %dma_start3A_448 = arith.constant 0 : i32
      %dma_start3A_449 = tpu.memref_slice %arg9[%dma_start3A_447, %dma_start3A_448] : memref<8x1024xf32, #tpu.memory_space<vmem>> -> memref<1x1024xf32, #tpu.memory_space<vmem>>
      %dma_start3A_450 = arith.constant 0 : i32
      %dma_start3A_451 = tpu.memref_slice %arg4[%add3A_446, %dma_start3A_450] : memref<51200x1024xf32, #tpu.memory_space<hbm>> -> memref<1x1024xf32, #tpu.memory_space<hbm>>
      %dma_start3A_452 = arith.constant 0 : i32
      %dma_start3A_453 = tpu.memref_slice %arg4[%add3A_446, %dma_start3A_452] : memref<51200x1024xf32, #tpu.memory_space<hbm>> -> memref<1x1024xf32, #tpu.memory_space<hbm>>
      %dma_start3A_454 = arith.constant 1 : i32
      %dma_start3A_455 = arith.constant 0 : i32
      %dma_start3A_456 = tpu.memref_slice %arg9[%dma_start3A_454, %dma_start3A_455] : memref<8x1024xf32, #tpu.memory_space<vmem>> -> memref<1x1024xf32, #tpu.memory_space<vmem>>
      tpu.enqueue_dma source(%dma_start3A_456 : memref<1x1024xf32, #tpu.memory_space<vmem>>) target(%dma_start3A_453 : memref<1x1024xf32, #tpu.memory_space<hbm>>) target_semaphore(%arg13 : memref<!tpu.dma_semaphore, #tpu.memory_space<semaphore_mem>>)
      %mul3A_457 = arith.constant 8 : i32
      %mul3A_458 = arith.muli %add3A_407, %mul3A_457 : i32
      %mul3A_459 = arith.constant 32 : i32
      %mul3A_460 = arith.muli %mul3A_458, %mul3A_459 : i32
      %add3A_461 = arith.constant 64 : i32
      %add3A_462 = arith.addi %mul3A_460, %add3A_461 : i32
      %add3A_463 = arith.addi %add3A_462, %add3A : i32
      %dma_start3A_464 = arith.constant 2 : i32
      %dma_start3A_465 = arith.constant 0 : i32
      %dma_start3A_466 = tpu.memref_slice %arg9[%dma_start3A_464, %dma_start3A_465] : memref<8x1024xf32, #tpu.memory_space<vmem>> -> memref<1x1024xf32, #tpu.memory_space<vmem>>
      %dma_start3A_467 = arith.constant 0 : i32
      %dma_start3A_468 = tpu.memref_slice %arg4[%add3A_463, %dma_start3A_467] : memref<51200x1024xf32, #tpu.memory_space<hbm>> -> memref<1x1024xf32, #tpu.memory_space<hbm>>
      %dma_start3A_469 = arith.constant 0 : i32
      %dma_start3A_470 = tpu.memref_slice %arg4[%add3A_463, %dma_start3A_469] : memref<51200x1024xf32, #tpu.memory_space<hbm>> -> memref<1x1024xf32, #tpu.memory_space<hbm>>
      %dma_start3A_471 = arith.constant 2 : i32
      %dma_start3A_472 = arith.constant 0 : i32
      %dma_start3A_473 = tpu.memref_slice %arg9[%dma_start3A_471, %dma_start3A_472] : memref<8x1024xf32, #tpu.memory_space<vmem>> -> memref<1x1024xf32, #tpu.memory_space<vmem>>
      tpu.enqueue_dma source(%dma_start3A_473 : memref<1x1024xf32, #tpu.memory_space<vmem>>) target(%dma_start3A_470 : memref<1x1024xf32, #tpu.memory_space<hbm>>) target_semaphore(%arg13 : memref<!tpu.dma_semaphore, #tpu.memory_space<semaphore_mem>>)
      %mul3A_474 = arith.constant 8 : i32
      %mul3A_475 = arith.muli %add3A_407, %mul3A_474 : i32
      %mul3A_476 = arith.constant 32 : i32
      %mul3A_477 = arith.muli %mul3A_475, %mul3A_476 : i32
      %add3A_478 = arith.constant 96 : i32
      %add3A_479 = arith.addi %mul3A_477, %add3A_478 : i32
      %add3A_480 = arith.addi %add3A_479, %add3A : i32
      %dma_start3A_481 = arith.constant 3 : i32
      %dma_start3A_482 = arith.constant 0 : i32
      %dma_start3A_483 = tpu.memref_slice %arg9[%dma_start3A_481, %dma_start3A_482] : memref<8x1024xf32, #tpu.memory_space<vmem>> -> memref<1x1024xf32, #tpu.memory_space<vmem>>
      %dma_start3A_484 = arith.constant 0 : i32
      %dma_start3A_485 = tpu.memref_slice %arg4[%add3A_480, %dma_start3A_484] : memref<51200x1024xf32, #tpu.memory_space<hbm>> -> memref<1x1024xf32, #tpu.memory_space<hbm>>
      %dma_start3A_486 = arith.constant 0 : i32
      %dma_start3A_487 = tpu.memref_slice %arg4[%add3A_480, %dma_start3A_486] : memref<51200x1024xf32, #tpu.memory_space<hbm>> -> memref<1x1024xf32, #tpu.memory_space<hbm>>
      %dma_start3A_488 = arith.constant 3 : i32
      %dma_start3A_489 = arith.constant 0 : i32
      %dma_start3A_490 = tpu.memref_slice %arg9[%dma_start3A_488, %dma_start3A_489] : memref<8x1024xf32, #tpu.memory_space<vmem>> -> memref<1x1024xf32, #tpu.memory_space<vmem>>
      tpu.enqueue_dma source(%dma_start3A_490 : memref<1x1024xf32, #tpu.memory_space<vmem>>) target(%dma_start3A_487 : memref<1x1024xf32, #tpu.memory_space<hbm>>) target_semaphore(%arg13 : memref<!tpu.dma_semaphore, #tpu.memory_space<semaphore_mem>>)
      %mul3A_491 = arith.constant 8 : i32
      %mul3A_492 = arith.muli %add3A_407, %mul3A_491 : i32
      %mul3A_493 = arith.constant 32 : i32
      %mul3A_494 = arith.muli %mul3A_492, %mul3A_493 : i32
      %add3A_495 = arith.constant 128 : i32
      %add3A_496 = arith.addi %mul3A_494, %add3A_495 : i32
      %add3A_497 = arith.addi %add3A_496, %add3A : i32
      %dma_start3A_498 = arith.constant 4 : i32
      %dma_start3A_499 = arith.constant 0 : i32
      %dma_start3A_500 = tpu.memref_slice %arg9[%dma_start3A_498, %dma_start3A_499] : memref<8x1024xf32, #tpu.memory_space<vmem>> -> memref<1x1024xf32, #tpu.memory_space<vmem>>
      %dma_start3A_501 = arith.constant 0 : i32
      %dma_start3A_502 = tpu.memref_slice %arg4[%add3A_497, %dma_start3A_501] : memref<51200x1024xf32, #tpu.memory_space<hbm>> -> memref<1x1024xf32, #tpu.memory_space<hbm>>
      %dma_start3A_503 = arith.constant 0 : i32
      %dma_start3A_504 = tpu.memref_slice %arg4[%add3A_497, %dma_start3A_503] : memref<51200x1024xf32, #tpu.memory_space<hbm>> -> memref<1x1024xf32, #tpu.memory_space<hbm>>
      %dma_start3A_505 = arith.constant 4 : i32
      %dma_start3A_506 = arith.constant 0 : i32
      %dma_start3A_507 = tpu.memref_slice %arg9[%dma_start3A_505, %dma_start3A_506] : memref<8x1024xf32, #tpu.memory_space<vmem>> -> memref<1x1024xf32, #tpu.memory_space<vmem>>
      tpu.enqueue_dma source(%dma_start3A_507 : memref<1x1024xf32, #tpu.memory_space<vmem>>) target(%dma_start3A_504 : memref<1x1024xf32, #tpu.memory_space<hbm>>) target_semaphore(%arg13 : memref<!tpu.dma_semaphore, #tpu.memory_space<semaphore_mem>>)
      %mul3A_508 = arith.constant 8 : i32
      %mul3A_509 = arith.muli %add3A_407, %mul3A_508 : i32
      %mul3A_510 = arith.constant 32 : i32
      %mul3A_511 = arith.muli %mul3A_509, %mul3A_510 : i32
      %add3A_512 = arith.constant 160 : i32
      %add3A_513 = arith.addi %mul3A_511, %add3A_512 : i32
      %add3A_514 = arith.addi %add3A_513, %add3A : i32
      %dma_start3A_515 = arith.constant 5 : i32
      %dma_start3A_516 = arith.constant 0 : i32
      %dma_start3A_517 = tpu.memref_slice %arg9[%dma_start3A_515, %dma_start3A_516] : memref<8x1024xf32, #tpu.memory_space<vmem>> -> memref<1x1024xf32, #tpu.memory_space<vmem>>
      %dma_start3A_518 = arith.constant 0 : i32
      %dma_start3A_519 = tpu.memref_slice %arg4[%add3A_514, %dma_start3A_518] : memref<51200x1024xf32, #tpu.memory_space<hbm>> -> memref<1x1024xf32, #tpu.memory_space<hbm>>
      %dma_start3A_520 = arith.constant 0 : i32
      %dma_start3A_521 = tpu.memref_slice %arg4[%add3A_514, %dma_start3A_520] : memref<51200x1024xf32, #tpu.memory_space<hbm>> -> memref<1x1024xf32, #tpu.memory_space<hbm>>
      %dma_start3A_522 = arith.constant 5 : i32
      %dma_start3A_523 = arith.constant 0 : i32
      %dma_start3A_524 = tpu.memref_slice %arg9[%dma_start3A_522, %dma_start3A_523] : memref<8x1024xf32, #tpu.memory_space<vmem>> -> memref<1x1024xf32, #tpu.memory_space<vmem>>
      tpu.enqueue_dma source(%dma_start3A_524 : memref<1x1024xf32, #tpu.memory_space<vmem>>) target(%dma_start3A_521 : memref<1x1024xf32, #tpu.memory_space<hbm>>) target_semaphore(%arg13 : memref<!tpu.dma_semaphore, #tpu.memory_space<semaphore_mem>>)
      %mul3A_525 = arith.constant 8 : i32
      %mul3A_526 = arith.muli %add3A_407, %mul3A_525 : i32
      %mul3A_527 = arith.constant 32 : i32
      %mul3A_528 = arith.muli %mul3A_526, %mul3A_527 : i32
      %add3A_529 = arith.constant 192 : i32
      %add3A_530 = arith.addi %mul3A_528, %add3A_529 : i32
      %add3A_531 = arith.addi %add3A_530, %add3A : i32
      %dma_start3A_532 = arith.constant 6 : i32
      %dma_start3A_533 = arith.constant 0 : i32
      %dma_start3A_534 = tpu.memref_slice %arg9[%dma_start3A_532, %dma_start3A_533] : memref<8x1024xf32, #tpu.memory_space<vmem>> -> memref<1x1024xf32, #tpu.memory_space<vmem>>
      %dma_start3A_535 = arith.constant 0 : i32
      %dma_start3A_536 = tpu.memref_slice %arg4[%add3A_531, %dma_start3A_535] : memref<51200x1024xf32, #tpu.memory_space<hbm>> -> memref<1x1024xf32, #tpu.memory_space<hbm>>
      %dma_start3A_537 = arith.constant 0 : i32
      %dma_start3A_538 = tpu.memref_slice %arg4[%add3A_531, %dma_start3A_537] : memref<51200x1024xf32, #tpu.memory_space<hbm>> -> memref<1x1024xf32, #tpu.memory_space<hbm>>
      %dma_start3A_539 = arith.constant 6 : i32
      %dma_start3A_540 = arith.constant 0 : i32
      %dma_start3A_541 = tpu.memref_slice %arg9[%dma_start3A_539, %dma_start3A_540] : memref<8x1024xf32, #tpu.memory_space<vmem>> -> memref<1x1024xf32, #tpu.memory_space<vmem>>
      tpu.enqueue_dma source(%dma_start3A_541 : memref<1x1024xf32, #tpu.memory_space<vmem>>) target(%dma_start3A_538 : memref<1x1024xf32, #tpu.memory_space<hbm>>) target_semaphore(%arg13 : memref<!tpu.dma_semaphore, #tpu.memory_space<semaphore_mem>>)
      %mul3A_542 = arith.constant 8 : i32
      %mul3A_543 = arith.muli %add3A_407, %mul3A_542 : i32
      %mul3A_544 = arith.constant 32 : i32
      %mul3A_545 = arith.muli %mul3A_543, %mul3A_544 : i32
      %add3A_546 = arith.constant 224 : i32
      %add3A_547 = arith.addi %mul3A_545, %add3A_546 : i32
      %add3A_548 = arith.addi %add3A_547, %add3A : i32
      %dma_start3A_549 = arith.constant 7 : i32
      %dma_start3A_550 = arith.constant 0 : i32
      %dma_start3A_551 = tpu.memref_slice %arg9[%dma_start3A_549, %dma_start3A_550] : memref<8x1024xf32, #tpu.memory_space<vmem>> -> memref<1x1024xf32, #tpu.memory_space<vmem>>
      %dma_start3A_552 = arith.constant 0 : i32
      %dma_start3A_553 = tpu.memref_slice %arg4[%add3A_548, %dma_start3A_552] : memref<51200x1024xf32, #tpu.memory_space<hbm>> -> memref<1x1024xf32, #tpu.memory_space<hbm>>
      %dma_start3A_554 = arith.constant 0 : i32
      %dma_start3A_555 = tpu.memref_slice %arg4[%add3A_548, %dma_start3A_554] : memref<51200x1024xf32, #tpu.memory_space<hbm>> -> memref<1x1024xf32, #tpu.memory_space<hbm>>
      %dma_start3A_556 = arith.constant 7 : i32
      %dma_start3A_557 = arith.constant 0 : i32
      %dma_start3A_558 = tpu.memref_slice %arg9[%dma_start3A_556, %dma_start3A_557] : memref<8x1024xf32, #tpu.memory_space<vmem>> -> memref<1x1024xf32, #tpu.memory_space<vmem>>
      tpu.enqueue_dma source(%dma_start3A_558 : memref<1x1024xf32, #tpu.memory_space<vmem>>) target(%dma_start3A_555 : memref<1x1024xf32, #tpu.memory_space<hbm>>) target_semaphore(%arg13 : memref<!tpu.dma_semaphore, #tpu.memory_space<semaphore_mem>>)
      %add3A_559 = arith.constant 2 : i32
      %add3A_560 = arith.addi %add3A_407, %add3A_559 : i32
      %lt3A_561 = arith.constant 200 : i32
      %lt3A_562 = arith.cmpi slt, %add3A_560, %lt3A_561 : i32
      %convert_element_type3A_563 = arith.extui %lt3A_562 : i1 to i32
      %cond3A_564 = arith.constant 0 : i32
      %cond3A_565 = arith.cmpi ne, %convert_element_type3A_563, %cond3A_564 : i32
      scf.if %cond3A_565 {
        %add3A_566 = arith.constant 2 : i32
        %add3A_567 = arith.addi %add3A_407, %add3A_566 : i32
        %dma_start3A_568 = arith.constant 0 : i32
        %dma_start3A_569 = arith.constant 0 : i32
        %dma_start3A_570 = tpu.memref_slice %arg5[%dma_start3A_568, %add3A_567, %dma_start3A_569] : memref<1x200x128xi32, #tpu.memory_space<vmem>> -> memref<1x1x128xi32, #tpu.memory_space<vmem>>
        %dma_start3A_571 = tpu.memref_squeeze %dma_start3A_570 : memref<1x1x128xi32, #tpu.memory_space<vmem>> -> memref<128xi32, #tpu.memory_space<vmem>>
        %dma_start3A_572 = arith.constant 0 : i32
        %dma_start3A_573 = arith.constant 0 : i32
        %dma_start3A_574 = tpu.memref_slice %arg14[%dma_start3A_572, %dma_start3A_573] : memref<2048x72xf32, #tpu.memory_space<vmem_shared>> -> memref<2048x72xf32, #tpu.memory_space<vmem_shared>>
        tpu.enqueue_indirect_dma source(%dma_start3A_574 : memref<2048x72xf32, #tpu.memory_space<vmem_shared>>) target(%arg7 : memref<128x72xf32, #tpu.memory_space<vmem>>) offsets(%dma_start3A_571 : memref<128xi32, #tpu.memory_space<vmem>>) semaphore(%arg11 : memref<!tpu.dma_semaphore, #tpu.memory_space<semaphore_mem>>)
      } else {
      }
    }
    %scan3A_52 = arith.constant 100 : i32
    %add3A_53 = arith.constant 0 : i32
    %add3A_54 = arith.addi %add3A_53, %add3A : i32
    %dma_wait3A = arith.constant 0 : i32
    %dma_wait3A_55 = arith.constant 0 : i32
    %dma_wait3A_56 = tpu.memref_slice %arg8[%dma_wait3A, %dma_wait3A_55] : memref<8x1024xf32, #tpu.memory_space<vmem>> -> memref<1x1024xf32, #tpu.memory_space<vmem>>
    %dma_wait3A_57 = arith.constant 0 : i32
    %dma_wait3A_58 = tpu.memref_slice %arg4[%add3A_54, %dma_wait3A_57] : memref<51200x1024xf32, #tpu.memory_space<hbm>> -> memref<1x1024xf32, #tpu.memory_space<hbm>>
    %dma_wait3A_59 = arith.constant 0 : i32
    %dma_wait3A_60 = tpu.memref_slice %arg4[%add3A_54, %dma_wait3A_59] : memref<51200x1024xf32, #tpu.memory_space<hbm>> -> memref<1x1024xf32, #tpu.memory_space<hbm>>
    %dma_wait3A_61 = arith.constant 0 : i32
    %dma_wait3A_62 = arith.constant 0 : i32
    %dma_wait3A_63 = tpu.memref_slice %arg8[%dma_wait3A_61, %dma_wait3A_62] : memref<8x1024xf32, #tpu.memory_space<vmem>> -> memref<1x1024xf32, #tpu.memory_space<vmem>>
    tpu.wait_dma2 semaphore(%arg12 : memref<!tpu.dma_semaphore, #tpu.memory_space<semaphore_mem>>) src(%dma_wait3A_63 : memref<1x1024xf32, #tpu.memory_space<vmem>>) dst(%dma_wait3A_60 : memref<1x1024xf32, #tpu.memory_space<hbm>>)
    %add3A_64 = arith.constant 32 : i32
    %add3A_65 = arith.addi %add3A_64, %add3A : i32
    %dma_wait3A_66 = arith.constant 1 : i32
    %dma_wait3A_67 = arith.constant 0 : i32
    %dma_wait3A_68 = tpu.memref_slice %arg8[%dma_wait3A_66, %dma_wait3A_67] : memref<8x1024xf32, #tpu.memory_space<vmem>> -> memref<1x1024xf32, #tpu.memory_space<vmem>>
    %dma_wait3A_69 = arith.constant 0 : i32
    %dma_wait3A_70 = tpu.memref_slice %arg4[%add3A_65, %dma_wait3A_69] : memref<51200x1024xf32, #tpu.memory_space<hbm>> -> memref<1x1024xf32, #tpu.memory_space<hbm>>
    %dma_wait3A_71 = arith.constant 0 : i32
    %dma_wait3A_72 = tpu.memref_slice %arg4[%add3A_65, %dma_wait3A_71] : memref<51200x1024xf32, #tpu.memory_space<hbm>> -> memref<1x1024xf32, #tpu.memory_space<hbm>>
    %dma_wait3A_73 = arith.constant 1 : i32
    %dma_wait3A_74 = arith.constant 0 : i32
    %dma_wait3A_75 = tpu.memref_slice %arg8[%dma_wait3A_73, %dma_wait3A_74] : memref<8x1024xf32, #tpu.memory_space<vmem>> -> memref<1x1024xf32, #tpu.memory_space<vmem>>
    tpu.wait_dma2 semaphore(%arg12 : memref<!tpu.dma_semaphore, #tpu.memory_space<semaphore_mem>>) src(%dma_wait3A_75 : memref<1x1024xf32, #tpu.memory_space<vmem>>) dst(%dma_wait3A_72 : memref<1x1024xf32, #tpu.memory_space<hbm>>)
    %add3A_76 = arith.constant 64 : i32
    %add3A_77 = arith.addi %add3A_76, %add3A : i32
    %dma_wait3A_78 = arith.constant 2 : i32
    %dma_wait3A_79 = arith.constant 0 : i32
    %dma_wait3A_80 = tpu.memref_slice %arg8[%dma_wait3A_78, %dma_wait3A_79] : memref<8x1024xf32, #tpu.memory_space<vmem>> -> memref<1x1024xf32, #tpu.memory_space<vmem>>
    %dma_wait3A_81 = arith.constant 0 : i32
    %dma_wait3A_82 = tpu.memref_slice %arg4[%add3A_77, %dma_wait3A_81] : memref<51200x1024xf32, #tpu.memory_space<hbm>> -> memref<1x1024xf32, #tpu.memory_space<hbm>>
    %dma_wait3A_83 = arith.constant 0 : i32
    %dma_wait3A_84 = tpu.memref_slice %arg4[%add3A_77, %dma_wait3A_83] : memref<51200x1024xf32, #tpu.memory_space<hbm>> -> memref<1x1024xf32, #tpu.memory_space<hbm>>
    %dma_wait3A_85 = arith.constant 2 : i32
    %dma_wait3A_86 = arith.constant 0 : i32
    %dma_wait3A_87 = tpu.memref_slice %arg8[%dma_wait3A_85, %dma_wait3A_86] : memref<8x1024xf32, #tpu.memory_space<vmem>> -> memref<1x1024xf32, #tpu.memory_space<vmem>>
    tpu.wait_dma2 semaphore(%arg12 : memref<!tpu.dma_semaphore, #tpu.memory_space<semaphore_mem>>) src(%dma_wait3A_87 : memref<1x1024xf32, #tpu.memory_space<vmem>>) dst(%dma_wait3A_84 : memref<1x1024xf32, #tpu.memory_space<hbm>>)
    %add3A_88 = arith.constant 96 : i32
    %add3A_89 = arith.addi %add3A_88, %add3A : i32
    %dma_wait3A_90 = arith.constant 3 : i32
    %dma_wait3A_91 = arith.constant 0 : i32
    %dma_wait3A_92 = tpu.memref_slice %arg8[%dma_wait3A_90, %dma_wait3A_91] : memref<8x1024xf32, #tpu.memory_space<vmem>> -> memref<1x1024xf32, #tpu.memory_space<vmem>>
    %dma_wait3A_93 = arith.constant 0 : i32
    %dma_wait3A_94 = tpu.memref_slice %arg4[%add3A_89, %dma_wait3A_93] : memref<51200x1024xf32, #tpu.memory_space<hbm>> -> memref<1x1024xf32, #tpu.memory_space<hbm>>
    %dma_wait3A_95 = arith.constant 0 : i32
    %dma_wait3A_96 = tpu.memref_slice %arg4[%add3A_89, %dma_wait3A_95] : memref<51200x1024xf32, #tpu.memory_space<hbm>> -> memref<1x1024xf32, #tpu.memory_space<hbm>>
    %dma_wait3A_97 = arith.constant 3 : i32
    %dma_wait3A_98 = arith.constant 0 : i32
    %dma_wait3A_99 = tpu.memref_slice %arg8[%dma_wait3A_97, %dma_wait3A_98] : memref<8x1024xf32, #tpu.memory_space<vmem>> -> memref<1x1024xf32, #tpu.memory_space<vmem>>
    tpu.wait_dma2 semaphore(%arg12 : memref<!tpu.dma_semaphore, #tpu.memory_space<semaphore_mem>>) src(%dma_wait3A_99 : memref<1x1024xf32, #tpu.memory_space<vmem>>) dst(%dma_wait3A_96 : memref<1x1024xf32, #tpu.memory_space<hbm>>)
    %add3A_100 = arith.constant 128 : i32
    %add3A_101 = arith.addi %add3A_100, %add3A : i32
    %dma_wait3A_102 = arith.constant 4 : i32
    %dma_wait3A_103 = arith.constant 0 : i32
    %dma_wait3A_104 = tpu.memref_slice %arg8[%dma_wait3A_102, %dma_wait3A_103] : memref<8x1024xf32, #tpu.memory_space<vmem>> -> memref<1x1024xf32, #tpu.memory_space<vmem>>
    %dma_wait3A_105 = arith.constant 0 : i32
    %dma_wait3A_106 = tpu.memref_slice %arg4[%add3A_101, %dma_wait3A_105] : memref<51200x1024xf32, #tpu.memory_space<hbm>> -> memref<1x1024xf32, #tpu.memory_space<hbm>>
    %dma_wait3A_107 = arith.constant 0 : i32
    %dma_wait3A_108 = tpu.memref_slice %arg4[%add3A_101, %dma_wait3A_107] : memref<51200x1024xf32, #tpu.memory_space<hbm>> -> memref<1x1024xf32, #tpu.memory_space<hbm>>
    %dma_wait3A_109 = arith.constant 4 : i32
    %dma_wait3A_110 = arith.constant 0 : i32
    %dma_wait3A_111 = tpu.memref_slice %arg8[%dma_wait3A_109, %dma_wait3A_110] : memref<8x1024xf32, #tpu.memory_space<vmem>> -> memref<1x1024xf32, #tpu.memory_space<vmem>>
    tpu.wait_dma2 semaphore(%arg12 : memref<!tpu.dma_semaphore, #tpu.memory_space<semaphore_mem>>) src(%dma_wait3A_111 : memref<1x1024xf32, #tpu.memory_space<vmem>>) dst(%dma_wait3A_108 : memref<1x1024xf32, #tpu.memory_space<hbm>>)
    %add3A_112 = arith.constant 160 : i32
    %add3A_113 = arith.addi %add3A_112, %add3A : i32
    %dma_wait3A_114 = arith.constant 5 : i32
    %dma_wait3A_115 = arith.constant 0 : i32
    %dma_wait3A_116 = tpu.memref_slice %arg8[%dma_wait3A_114, %dma_wait3A_115] : memref<8x1024xf32, #tpu.memory_space<vmem>> -> memref<1x1024xf32, #tpu.memory_space<vmem>>
    %dma_wait3A_117 = arith.constant 0 : i32
    %dma_wait3A_118 = tpu.memref_slice %arg4[%add3A_113, %dma_wait3A_117] : memref<51200x1024xf32, #tpu.memory_space<hbm>> -> memref<1x1024xf32, #tpu.memory_space<hbm>>
    %dma_wait3A_119 = arith.constant 0 : i32
    %dma_wait3A_120 = tpu.memref_slice %arg4[%add3A_113, %dma_wait3A_119] : memref<51200x1024xf32, #tpu.memory_space<hbm>> -> memref<1x1024xf32, #tpu.memory_space<hbm>>
    %dma_wait3A_121 = arith.constant 5 : i32
    %dma_wait3A_122 = arith.constant 0 : i32
    %dma_wait3A_123 = tpu.memref_slice %arg8[%dma_wait3A_121, %dma_wait3A_122] : memref<8x1024xf32, #tpu.memory_space<vmem>> -> memref<1x1024xf32, #tpu.memory_space<vmem>>
    tpu.wait_dma2 semaphore(%arg12 : memref<!tpu.dma_semaphore, #tpu.memory_space<semaphore_mem>>) src(%dma_wait3A_123 : memref<1x1024xf32, #tpu.memory_space<vmem>>) dst(%dma_wait3A_120 : memref<1x1024xf32, #tpu.memory_space<hbm>>)
    %add3A_124 = arith.constant 192 : i32
    %add3A_125 = arith.addi %add3A_124, %add3A : i32
    %dma_wait3A_126 = arith.constant 6 : i32
    %dma_wait3A_127 = arith.constant 0 : i32
    %dma_wait3A_128 = tpu.memref_slice %arg8[%dma_wait3A_126, %dma_wait3A_127] : memref<8x1024xf32, #tpu.memory_space<vmem>> -> memref<1x1024xf32, #tpu.memory_space<vmem>>
    %dma_wait3A_129 = arith.constant 0 : i32
    %dma_wait3A_130 = tpu.memref_slice %arg4[%add3A_125, %dma_wait3A_129] : memref<51200x1024xf32, #tpu.memory_space<hbm>> -> memref<1x1024xf32, #tpu.memory_space<hbm>>
    %dma_wait3A_131 = arith.constant 0 : i32
    %dma_wait3A_132 = tpu.memref_slice %arg4[%add3A_125, %dma_wait3A_131] : memref<51200x1024xf32, #tpu.memory_space<hbm>> -> memref<1x1024xf32, #tpu.memory_space<hbm>>
    %dma_wait3A_133 = arith.constant 6 : i32
    %dma_wait3A_134 = arith.constant 0 : i32
    %dma_wait3A_135 = tpu.memref_slice %arg8[%dma_wait3A_133, %dma_wait3A_134] : memref<8x1024xf32, #tpu.memory_space<vmem>> -> memref<1x1024xf32, #tpu.memory_space<vmem>>
    tpu.wait_dma2 semaphore(%arg12 : memref<!tpu.dma_semaphore, #tpu.memory_space<semaphore_mem>>) src(%dma_wait3A_135 : memref<1x1024xf32, #tpu.memory_space<vmem>>) dst(%dma_wait3A_132 : memref<1x1024xf32, #tpu.memory_space<hbm>>)
    %add3A_136 = arith.constant 224 : i32
    %add3A_137 = arith.addi %add3A_136, %add3A : i32
    %dma_wait3A_138 = arith.constant 7 : i32
    %dma_wait3A_139 = arith.constant 0 : i32
    %dma_wait3A_140 = tpu.memref_slice %arg8[%dma_wait3A_138, %dma_wait3A_139] : memref<8x1024xf32, #tpu.memory_space<vmem>> -> memref<1x1024xf32, #tpu.memory_space<vmem>>
    %dma_wait3A_141 = arith.constant 0 : i32
    %dma_wait3A_142 = tpu.memref_slice %arg4[%add3A_137, %dma_wait3A_141] : memref<51200x1024xf32, #tpu.memory_space<hbm>> -> memref<1x1024xf32, #tpu.memory_space<hbm>>
    %dma_wait3A_143 = arith.constant 0 : i32
    %dma_wait3A_144 = tpu.memref_slice %arg4[%add3A_137, %dma_wait3A_143] : memref<51200x1024xf32, #tpu.memory_space<hbm>> -> memref<1x1024xf32, #tpu.memory_space<hbm>>
    %dma_wait3A_145 = arith.constant 7 : i32
    %dma_wait3A_146 = arith.constant 0 : i32
    %dma_wait3A_147 = tpu.memref_slice %arg8[%dma_wait3A_145, %dma_wait3A_146] : memref<8x1024xf32, #tpu.memory_space<vmem>> -> memref<1x1024xf32, #tpu.memory_space<vmem>>
    tpu.wait_dma2 semaphore(%arg12 : memref<!tpu.dma_semaphore, #tpu.memory_space<semaphore_mem>>) src(%dma_wait3A_147 : memref<1x1024xf32, #tpu.memory_space<vmem>>) dst(%dma_wait3A_144 : memref<1x1024xf32, #tpu.memory_space<hbm>>)
    %add3A_148 = arith.constant 0 : i32
    %add3A_149 = arith.addi %add3A_148, %add3A : i32
    %dma_wait3A_150 = arith.constant 0 : i32
    %dma_wait3A_151 = arith.constant 0 : i32
    %dma_wait3A_152 = tpu.memref_slice %arg9[%dma_wait3A_150, %dma_wait3A_151] : memref<8x1024xf32, #tpu.memory_space<vmem>> -> memref<1x1024xf32, #tpu.memory_space<vmem>>
    %dma_wait3A_153 = arith.constant 0 : i32
    %dma_wait3A_154 = tpu.memref_slice %arg4[%add3A_149, %dma_wait3A_153] : memref<51200x1024xf32, #tpu.memory_space<hbm>> -> memref<1x1024xf32, #tpu.memory_space<hbm>>
    %dma_wait3A_155 = arith.constant 0 : i32
    %dma_wait3A_156 = tpu.memref_slice %arg4[%add3A_149, %dma_wait3A_155] : memref<51200x1024xf32, #tpu.memory_space<hbm>> -> memref<1x1024xf32, #tpu.memory_space<hbm>>
    %dma_wait3A_157 = arith.constant 0 : i32
    %dma_wait3A_158 = arith.constant 0 : i32
    %dma_wait3A_159 = tpu.memref_slice %arg9[%dma_wait3A_157, %dma_wait3A_158] : memref<8x1024xf32, #tpu.memory_space<vmem>> -> memref<1x1024xf32, #tpu.memory_space<vmem>>
    tpu.wait_dma2 semaphore(%arg13 : memref<!tpu.dma_semaphore, #tpu.memory_space<semaphore_mem>>) src(%dma_wait3A_159 : memref<1x1024xf32, #tpu.memory_space<vmem>>) dst(%dma_wait3A_156 : memref<1x1024xf32, #tpu.memory_space<hbm>>)
    %add3A_160 = arith.constant 32 : i32
    %add3A_161 = arith.addi %add3A_160, %add3A : i32
    %dma_wait3A_162 = arith.constant 1 : i32
    %dma_wait3A_163 = arith.constant 0 : i32
    %dma_wait3A_164 = tpu.memref_slice %arg9[%dma_wait3A_162, %dma_wait3A_163] : memref<8x1024xf32, #tpu.memory_space<vmem>> -> memref<1x1024xf32, #tpu.memory_space<vmem>>
    %dma_wait3A_165 = arith.constant 0 : i32
    %dma_wait3A_166 = tpu.memref_slice %arg4[%add3A_161, %dma_wait3A_165] : memref<51200x1024xf32, #tpu.memory_space<hbm>> -> memref<1x1024xf32, #tpu.memory_space<hbm>>
    %dma_wait3A_167 = arith.constant 0 : i32
    %dma_wait3A_168 = tpu.memref_slice %arg4[%add3A_161, %dma_wait3A_167] : memref<51200x1024xf32, #tpu.memory_space<hbm>> -> memref<1x1024xf32, #tpu.memory_space<hbm>>
    %dma_wait3A_169 = arith.constant 1 : i32
    %dma_wait3A_170 = arith.constant 0 : i32
    %dma_wait3A_171 = tpu.memref_slice %arg9[%dma_wait3A_169, %dma_wait3A_170] : memref<8x1024xf32, #tpu.memory_space<vmem>> -> memref<1x1024xf32, #tpu.memory_space<vmem>>
    tpu.wait_dma2 semaphore(%arg13 : memref<!tpu.dma_semaphore, #tpu.memory_space<semaphore_mem>>) src(%dma_wait3A_171 : memref<1x1024xf32, #tpu.memory_space<vmem>>) dst(%dma_wait3A_168 : memref<1x1024xf32, #tpu.memory_space<hbm>>)
    %add3A_172 = arith.constant 64 : i32
    %add3A_173 = arith.addi %add3A_172, %add3A : i32
    %dma_wait3A_174 = arith.constant 2 : i32
    %dma_wait3A_175 = arith.constant 0 : i32
    %dma_wait3A_176 = tpu.memref_slice %arg9[%dma_wait3A_174, %dma_wait3A_175] : memref<8x1024xf32, #tpu.memory_space<vmem>> -> memref<1x1024xf32, #tpu.memory_space<vmem>>
    %dma_wait3A_177 = arith.constant 0 : i32
    %dma_wait3A_178 = tpu.memref_slice %arg4[%add3A_173, %dma_wait3A_177] : memref<51200x1024xf32, #tpu.memory_space<hbm>> -> memref<1x1024xf32, #tpu.memory_space<hbm>>
    %dma_wait3A_179 = arith.constant 0 : i32
    %dma_wait3A_180 = tpu.memref_slice %arg4[%add3A_173, %dma_wait3A_179] : memref<51200x1024xf32, #tpu.memory_space<hbm>> -> memref<1x1024xf32, #tpu.memory_space<hbm>>
    %dma_wait3A_181 = arith.constant 2 : i32
    %dma_wait3A_182 = arith.constant 0 : i32
    %dma_wait3A_183 = tpu.memref_slice %arg9[%dma_wait3A_181, %dma_wait3A_182] : memref<8x1024xf32, #tpu.memory_space<vmem>> -> memref<1x1024xf32, #tpu.memory_space<vmem>>
    tpu.wait_dma2 semaphore(%arg13 : memref<!tpu.dma_semaphore, #tpu.memory_space<semaphore_mem>>) src(%dma_wait3A_183 : memref<1x1024xf32, #tpu.memory_space<vmem>>) dst(%dma_wait3A_180 : memref<1x1024xf32, #tpu.memory_space<hbm>>)
    %add3A_184 = arith.constant 96 : i32
    %add3A_185 = arith.addi %add3A_184, %add3A : i32
    %dma_wait3A_186 = arith.constant 3 : i32
    %dma_wait3A_187 = arith.constant 0 : i32
    %dma_wait3A_188 = tpu.memref_slice %arg9[%dma_wait3A_186, %dma_wait3A_187] : memref<8x1024xf32, #tpu.memory_space<vmem>> -> memref<1x1024xf32, #tpu.memory_space<vmem>>
    %dma_wait3A_189 = arith.constant 0 : i32
    %dma_wait3A_190 = tpu.memref_slice %arg4[%add3A_185, %dma_wait3A_189] : memref<51200x1024xf32, #tpu.memory_space<hbm>> -> memref<1x1024xf32, #tpu.memory_space<hbm>>
    %dma_wait3A_191 = arith.constant 0 : i32
    %dma_wait3A_192 = tpu.memref_slice %arg4[%add3A_185, %dma_wait3A_191] : memref<51200x1024xf32, #tpu.memory_space<hbm>> -> memref<1x1024xf32, #tpu.memory_space<hbm>>
    %dma_wait3A_193 = arith.constant 3 : i32
    %dma_wait3A_194 = arith.constant 0 : i32
    %dma_wait3A_195 = tpu.memref_slice %arg9[%dma_wait3A_193, %dma_wait3A_194] : memref<8x1024xf32, #tpu.memory_space<vmem>> -> memref<1x1024xf32, #tpu.memory_space<vmem>>
    tpu.wait_dma2 semaphore(%arg13 : memref<!tpu.dma_semaphore, #tpu.memory_space<semaphore_mem>>) src(%dma_wait3A_195 : memref<1x1024xf32, #tpu.memory_space<vmem>>) dst(%dma_wait3A_192 : memref<1x1024xf32, #tpu.memory_space<hbm>>)
    %add3A_196 = arith.constant 128 : i32
    %add3A_197 = arith.addi %add3A_196, %add3A : i32
    %dma_wait3A_198 = arith.constant 4 : i32
    %dma_wait3A_199 = arith.constant 0 : i32
    %dma_wait3A_200 = tpu.memref_slice %arg9[%dma_wait3A_198, %dma_wait3A_199] : memref<8x1024xf32, #tpu.memory_space<vmem>> -> memref<1x1024xf32, #tpu.memory_space<vmem>>
    %dma_wait3A_201 = arith.constant 0 : i32
    %dma_wait3A_202 = tpu.memref_slice %arg4[%add3A_197, %dma_wait3A_201] : memref<51200x1024xf32, #tpu.memory_space<hbm>> -> memref<1x1024xf32, #tpu.memory_space<hbm>>
    %dma_wait3A_203 = arith.constant 0 : i32
    %dma_wait3A_204 = tpu.memref_slice %arg4[%add3A_197, %dma_wait3A_203] : memref<51200x1024xf32, #tpu.memory_space<hbm>> -> memref<1x1024xf32, #tpu.memory_space<hbm>>
    %dma_wait3A_205 = arith.constant 4 : i32
    %dma_wait3A_206 = arith.constant 0 : i32
    %dma_wait3A_207 = tpu.memref_slice %arg9[%dma_wait3A_205, %dma_wait3A_206] : memref<8x1024xf32, #tpu.memory_space<vmem>> -> memref<1x1024xf32, #tpu.memory_space<vmem>>
    tpu.wait_dma2 semaphore(%arg13 : memref<!tpu.dma_semaphore, #tpu.memory_space<semaphore_mem>>) src(%dma_wait3A_207 : memref<1x1024xf32, #tpu.memory_space<vmem>>) dst(%dma_wait3A_204 : memref<1x1024xf32, #tpu.memory_space<hbm>>)
    %add3A_208 = arith.constant 160 : i32
    %add3A_209 = arith.addi %add3A_208, %add3A : i32
    %dma_wait3A_210 = arith.constant 5 : i32
    %dma_wait3A_211 = arith.constant 0 : i32
    %dma_wait3A_212 = tpu.memref_slice %arg9[%dma_wait3A_210, %dma_wait3A_211] : memref<8x1024xf32, #tpu.memory_space<vmem>> -> memref<1x1024xf32, #tpu.memory_space<vmem>>
    %dma_wait3A_213 = arith.constant 0 : i32
    %dma_wait3A_214 = tpu.memref_slice %arg4[%add3A_209, %dma_wait3A_213] : memref<51200x1024xf32, #tpu.memory_space<hbm>> -> memref<1x1024xf32, #tpu.memory_space<hbm>>
    %dma_wait3A_215 = arith.constant 0 : i32
    %dma_wait3A_216 = tpu.memref_slice %arg4[%add3A_209, %dma_wait3A_215] : memref<51200x1024xf32, #tpu.memory_space<hbm>> -> memref<1x1024xf32, #tpu.memory_space<hbm>>
    %dma_wait3A_217 = arith.constant 5 : i32
    %dma_wait3A_218 = arith.constant 0 : i32
    %dma_wait3A_219 = tpu.memref_slice %arg9[%dma_wait3A_217, %dma_wait3A_218] : memref<8x1024xf32, #tpu.memory_space<vmem>> -> memref<1x1024xf32, #tpu.memory_space<vmem>>
    tpu.wait_dma2 semaphore(%arg13 : memref<!tpu.dma_semaphore, #tpu.memory_space<semaphore_mem>>) src(%dma_wait3A_219 : memref<1x1024xf32, #tpu.memory_space<vmem>>) dst(%dma_wait3A_216 : memref<1x1024xf32, #tpu.memory_space<hbm>>)
    %add3A_220 = arith.constant 192 : i32
    %add3A_221 = arith.addi %add3A_220, %add3A : i32
    %dma_wait3A_222 = arith.constant 6 : i32
    %dma_wait3A_223 = arith.constant 0 : i32
    %dma_wait3A_224 = tpu.memref_slice %arg9[%dma_wait3A_222, %dma_wait3A_223] : memref<8x1024xf32, #tpu.memory_space<vmem>> -> memref<1x1024xf32, #tpu.memory_space<vmem>>
    %dma_wait3A_225 = arith.constant 0 : i32
    %dma_wait3A_226 = tpu.memref_slice %arg4[%add3A_221, %dma_wait3A_225] : memref<51200x1024xf32, #tpu.memory_space<hbm>> -> memref<1x1024xf32, #tpu.memory_space<hbm>>
    %dma_wait3A_227 = arith.constant 0 : i32
    %dma_wait3A_228 = tpu.memref_slice %arg4[%add3A_221, %dma_wait3A_227] : memref<51200x1024xf32, #tpu.memory_space<hbm>> -> memref<1x1024xf32, #tpu.memory_space<hbm>>
    %dma_wait3A_229 = arith.constant 6 : i32
    %dma_wait3A_230 = arith.constant 0 : i32
    %dma_wait3A_231 = tpu.memref_slice %arg9[%dma_wait3A_229, %dma_wait3A_230] : memref<8x1024xf32, #tpu.memory_space<vmem>> -> memref<1x1024xf32, #tpu.memory_space<vmem>>
    tpu.wait_dma2 semaphore(%arg13 : memref<!tpu.dma_semaphore, #tpu.memory_space<semaphore_mem>>) src(%dma_wait3A_231 : memref<1x1024xf32, #tpu.memory_space<vmem>>) dst(%dma_wait3A_228 : memref<1x1024xf32, #tpu.memory_space<hbm>>)
    %add3A_232 = arith.constant 224 : i32
    %add3A_233 = arith.addi %add3A_232, %add3A : i32
    %dma_wait3A_234 = arith.constant 7 : i32
    %dma_wait3A_235 = arith.constant 0 : i32
    %dma_wait3A_236 = tpu.memref_slice %arg9[%dma_wait3A_234, %dma_wait3A_235] : memref<8x1024xf32, #tpu.memory_space<vmem>> -> memref<1x1024xf32, #tpu.memory_space<vmem>>
    %dma_wait3A_237 = arith.constant 0 : i32
    %dma_wait3A_238 = tpu.memref_slice %arg4[%add3A_233, %dma_wait3A_237] : memref<51200x1024xf32, #tpu.memory_space<hbm>> -> memref<1x1024xf32, #tpu.memory_space<hbm>>
    %dma_wait3A_239 = arith.constant 0 : i32
    %dma_wait3A_240 = tpu.memref_slice %arg4[%add3A_233, %dma_wait3A_239] : memref<51200x1024xf32, #tpu.memory_space<hbm>> -> memref<1x1024xf32, #tpu.memory_space<hbm>>
    %dma_wait3A_241 = arith.constant 7 : i32
    %dma_wait3A_242 = arith.constant 0 : i32
    %dma_wait3A_243 = tpu.memref_slice %arg9[%dma_wait3A_241, %dma_wait3A_242] : memref<8x1024xf32, #tpu.memory_space<vmem>> -> memref<1x1024xf32, #tpu.memory_space<vmem>>
    tpu.wait_dma2 semaphore(%arg13 : memref<!tpu.dma_semaphore, #tpu.memory_space<semaphore_mem>>) src(%dma_wait3A_243 : memref<1x1024xf32, #tpu.memory_space<vmem>>) dst(%dma_wait3A_240 : memref<1x1024xf32, #tpu.memory_space<hbm>>)
    return
  }
}

module attributes {stable_mosaic.version = 14 : i64} {
  func.func @_proj_body(%arg0: memref<2048x32xf32, #tpu.memory_space<vmem>>, %arg1: memref<32x72xf32, #tpu.memory_space<vmem>>, %arg2: memref<1x72xf32, #tpu.memory_space<vmem>>, %arg3: memref<2048x72xf32, #tpu.memory_space<vmem>>) attributes {dimension_semantics = [], scalar_prefetch = 0 : i64, scratch_operands = 0 : i64, tpu.core_type = #tpu.core_type<tc>} {
    %get3A = arith.constant 0 : index
    %get3A_0 = arith.constant 0 : index
    %get3A_1 = vector.load %arg0[%get3A, %get3A_0] : memref<2048x32xf32, #tpu.memory_space<vmem>>, vector<2048x32xf32>
    %get3A_2 = arith.constant 0 : index
    %get3A_3 = arith.constant 0 : index
    %get3A_4 = vector.load %arg1[%get3A_2, %get3A_3] : memref<32x72xf32, #tpu.memory_space<vmem>>, vector<32x72xf32>
    %dot_general3A = arith.constant dense<0.000000e+00> : vector<2048x72xf32>
    %dot_general3A_5 = tpu.matmul %get3A_1, %get3A_4, %dot_general3A {dimension_numbers = #tpu.dot_dimension_numbers<[1], [0], [0], [1], [0, 0, 1, 1], [], []>, transpose_lhs_hint = false} : vector<2048x32xf32>, vector<32x72xf32>, vector<2048x72xf32> -> vector<2048x72xf32>
    %get3A_6 = arith.constant 0 : index
    %get3A_7 = arith.constant 0 : index
    %get3A_8 = vector.load %arg2[%get3A_6, %get3A_7] : memref<1x72xf32, #tpu.memory_space<vmem>>, vector<1x72xf32>
    %add3A = vector.broadcast %get3A_8 : vector<1x72xf32> to vector<2048x72xf32>
    %add3A_9 = arith.addf %dot_general3A_5, %add3A : vector<2048x72xf32>
    %swap3A = arith.constant 0 : index
    %swap3A_10 = arith.constant 0 : index
    %swap3A_11 = vector.load %arg3[%swap3A, %swap3A_10] : memref<2048x72xf32, #tpu.memory_space<vmem>>, vector<2048x72xf32>
    tpu.vector_store %arg3[%swap3A, %swap3A_10], %add3A_9 {strides = array<i32>} : memref<2048x72xf32, #tpu.memory_space<vmem>>, vector<2048x72xf32>,
    return
  }
}

</mosaic_0001>

<sc_bundles>
// kernel: kernel.4.cloned.1.call-start
scs
__scs_entry_jumppad:
0x0: {  	(pc) =	sbr.rel $0x88, $3  }
0x1: {  	(tag) =	ssettag $0x0;
	lr =	simm.s32 $0x1  }
0x2: {  	[smem:$0x3F9D] =	sst lr;
	_ =	strace $0xD0000000  }
0x3: {  	_ = 	snop  }
0x4: {  	_ = 	snop  }
0x5: {  	_ = 	snop  }
0x6: {  	_ = 	snop  }
0x7: {  	_ = 	snop  }
__scs_overlays_trampoline_lowered:
0x8: {  	[smem:$0x3FAC] =	sst s0  }
0x9: {  	[smem:$0x3FAD] =	sst s1  }
0xa: {  	[smem:$0x3FAE] =	sst s2  }
0xb: {  	[smem:$0x3FAF] =	sst s3  }
0xc: {  	[smem:$0x3FB0] =	sst s4  }
0xd: {  	[smem:$0x3FB1] =	sst s5  }
0xe: {  	[smem:$0x3FB2] =	sst s6  }
0xf: {  	[smem:$0x3FB3] =	sst s7  }
0x10: {  	[smem:$0x3FB4] =	sst s8  }
0x11: {  	[smem:$0x3FB5] =	sst s9;
	s0 =	simm.s32 @!p0 $0x0  }
0x12: {  	s1 =	sld [smem:$0x3F9B];
	s0 =	simm.s32 @p0 $0x1  }
0x13: {  	[smem:$0x3FB6] =	sst s0;
	s0 =	simm.s32 @!p1 $0x0  }
0x14: {  	s2 =	sld [smem:$0x3F9A];
	s0 =	simm.s32 @p1 $0x1  }
0x15: {  	[smem:$0x3FB7] =	sst s0;
	s0 =	simm.s32 @!p2 $0x0  }
0x16: {  	s3 =	sld [smem:$0x3FDB];
	s0 =	simm.s32 @p2 $0x1  }
0x17: {  	s4 =	simm.s32 $0x1BF5;
	[smem:$0x3FB9] =	sst s0  }
0x18: {  	s0 =	sld [smem:$0x3F9C];
	_ =	swait.ge [sflag:s4], $0x0  }
0x19: {  	s7 =	sld [smem:$0x3F9D]  }
0x1a: {  	s8 =	sadd.s32 $0xFFFFE003, lr  }
0x1b: {  	s9 =	sadd.s32 $0xFFFFFEF7, lr;
	s5 =	simm.s32 $0xFFFFFFFF;
	p2 =	slt.u32 s8, $0xFFFFF086  }
0x1c: {  	p1 =	slt.u32 s9, $0xF7A;
	s5 =	simm.s32 @!p2 $0x0  }
0x1d: {  	s5 =	simm.s32 @p1 $0x1;
	p0 =	seq.s32 s7, s2  }
0x1e: {  	s7 =	smul.u32 @!p0 $0xF7A, s2;
	p2 =	seq.s32 @!p0 s5, $0x0  }
0x1f: {  	s9 =	smul.u32 $0xF7A, s1;
	s8 =	simm.s32 @!p0 $0x1BF5;
	p2 =	por !p2, p0  }
0x20: {  	[sflag:s8] =	ssyncset.s32 @!p0 $0xFFFFF086;
	s6 =	sadd.s32 @!p0 s3, s7;
	s7 =	simm.s32 @!p0 $0x108  }
0x21: {  	s3 =	sadd.s32 s3, s9;
	s6 =	sadd.s32 @!p0 $0x88, s6;
	s7 =	simm.s32 @p2 $0x1082  }
0x22: {  	[simem:s7], [sflag:s8] =	dma.local @!p0 [hbm:s6], $0xF7A  }
0x23: {  	s9 =	sor.u32 $0xD0000000, s2;
	s6 =	simm.s32 $0x108;
	_ =	swait.ge @!p0 [sflag:s8], $0x0  }
0x24: {  	s3 =	sadd.s32 $0x88, s3;
	s6 =	simm.s32 @!p1 $0x1082;
	[sflag:s4] =	ssyncset.s32 $0xFFFFF086  }
0x25: {  	[simem:s6], [sflag:s4] =	dma.local [hbm:s3], $0xF7A  }
0x26: {  	[smem:$0x3F9D] =	sst s1;
	(tag) =	ssettag s2;
	_ =	strace s9  }
0x27: {  	s1 =	sld [smem:$0x3FAD]  }
0x28: {  	s2 =	sld [smem:$0x3FAE]  }
0x29: {  	s4 =	sld [smem:$0x3FB0]  }
0x2a: {  	p0 =	seq.s32 s5, $0x0;
	s5 =	sld [smem:$0x3FB1]  }
0x2b: {  	s6 =	sld [smem:$0x3FB2]  }
0x2c: {  	s7 =	sld [smem:$0x3FB3]  }
0x2d: {  	s3 =	simm.s32 $0x108;
	s8 =	sld [smem:$0x3FB4]  }
0x2e: {  	s3 =	simm.s32 @!p0 $0x1082;
	s9 =	sld [smem:$0x3FB5]  }
0x2f: {  	lr =	sadd.s32 s0, s3;
	s0 =	sld [smem:$0x3FAC]  }
0x30: {  	s3 =	sld [smem:$0x3FAF]  }
0x31: {  	[smem:$0x3FB8] =	sst s10  }
0x32: {  	s10 =	sld [smem:$0x3FB6];
	_ =	sdelay $0x3  }
0x33: {  	p0 =	seq.s32 s10, $0x1;
	s10 =	sld [smem:$0x3FB8];
	_ =	sdelay $0x3  }
0x34: {  	[smem:$0x3FB8] =	sst s10  }
0x35: {  	s10 =	sld [smem:$0x3FB7];
	_ =	sdelay $0x3  }
0x36: {  	p1 =	seq.s32 s10, $0x1;
	s10 =	sld [smem:$0x3FB8];
	_ =	sdelay $0x3  }
0x37: {  	[smem:$0x3FB8] =	sst s10  }
0x38: {  	s10 =	sld [smem:$0x3FB9]  }
0x39: {  	_ = 	snop;
	(pc) =	sbr.ind lr, $3  }
0x3a: {  	_ = 	snop  }
0x3b: {  	_ = 	snop  }
0x3c: {  	p2 =	seq.s32 s10, $0x1;
	s10 =	sld [smem:$0x3FB8]  }
0x3d: {  	_ =	shalt  }
0x3e: {  	_ =	shalt  }
0x3f: {  	_ =	shalt  }
0x40: {  	_ =	shalt  }
0x41: {  	_ =	shalt  }
0x42: {  	_ =	shalt  }
0x43: {  	_ =	shalt  }
0x44: {  	_ =	shalt  }
0x45: {  	_ =	shalt  }
0x46: {  	_ =	shalt  }
0x47: {  	_ =	shalt  }
0x48: {  	_ =	shalt  }
0x49: {  	_ =	shalt  }
0x4a: {  	_ =	shalt  }
0x4b: {  	_ =	shalt  }
0x4c: {  	_ =	shalt  }
0x4d: {  	_ =	shalt  }
0x4e: {  	_ =	shalt  }
0x4f: {  	_ =	shalt  }
0x50: {  	_ =	shalt  }
0x51: {  	_ =	shalt  }
0x52: {  	_ =	shalt  }
0x53: {  	_ =	shalt  }
0x54: {  	_ =	shalt  }
0x55: {  	_ =	shalt  }
0x56: {  	_ =	shalt  }
0x57: {  	_ =	shalt  }
0x58: {  	_ =	shalt  }
0x59: {  	_ =	shalt  }
0x5a: {  	_ =	shalt  }
0x5b: {  	_ =	shalt  }
0x5c: {  	_ =	shalt  }
0x5d: {  	_ =	shalt  }
0x5e: {  	_ =	shalt  }
0x5f: {  	_ =	shalt  }
0x60: {  	_ =	shalt  }
0x61: {  	_ =	shalt  }
0x62: {  	_ =	shalt  }
0x63: {  	_ =	shalt  }
0x64: {  	_ =	shalt  }
0x65: {  	_ =	shalt  }
0x66: {  	_ =	shalt  }
0x67: {  	_ =	shalt  }
0x68: {  	_ =	shalt  }
0x69: {  	_ =	shalt  }
0x6a: {  	_ =	shalt  }
0x6b: {  	_ =	shalt  }
0x6c: {  	_ =	shalt  }
0x6d: {  	_ =	shalt  }
0x6e: {  	_ =	shalt  }
0x6f: {  	_ =	shalt  }
0x70: {  	_ =	shalt  }
0x71: {  	_ =	shalt  }
0x72: {  	_ =	shalt  }
0x73: {  	_ =	shalt  }
0x74: {  	_ =	shalt  }
0x75: {  	_ =	shalt  }
0x76: {  	_ =	shalt  }
0x77: {  	_ =	shalt  }
0x78: {  	_ =	shalt  }
0x79: {  	_ =	shalt  }
0x7a: {  	_ =	shalt  }
0x7b: {  	_ =	shalt  }
0x7c: {  	_ =	shalt  }
0x7d: {  	_ =	shalt  }
0x7e: {  	_ =	shalt  }
0x7f: {  	_ =	shalt  }
0x80: {  	_ =	shalt  }
0x81: {  	_ =	shalt  }
0x82: {  	_ =	shalt  }
0x83: {  	_ =	shalt  }
0x84: {  	_ =	shalt  }
0x85: {  	_ =	shalt  }
0x86: {  	_ =	shalt  }
0x87: {  	_ =	shalt  }
.Lfunc_end0:
.L_simem_size_0:
called_computation_lowered:
.L_overlay_start_0:
0x88: {  	s2 =	sld [smem:$0x3FD9]  }
0x89: {  	s3 =	sld [smem:$0x3FFE];
	_ =	sdelay $0x1  }
0x8a: {  	s1 =	srdreg.scid  }
0x8b: {  	s0 =	sand.u32 $0x1, s1  }
0x8c: {  	s17 =	sshll.u32 s0, $0xA;
	s2 =	sadd.s32 s3, s2  }
0x8d: {  	s2 =	sadd.s32 s2, s17  }
0x8e: {  	[smem:$0x3FC4] =	sst s2  }
0x8f: {  	_ = 	snop  }
0x90: {  	s2 =	sld [smem:$0x3FD0];
	(tm) =	ssettm $0x1  }
0x91: {  	s18 =	sld [smem:$0x3FFB];
	_ =	sdelay $0x3  }
0x92: {  	_ =	strace s18  }
0x93: {  	s3 =	sld [smem:$0x3FFC];
	_ =	sdelay $0x3  }
0x94: {  	_ =	strace s3  }
0x95: {  	s3 =	sld [smem:$0x3FFD];
	_ =	sdelay $0x3  }
0x96: {  	_ =	strace s3  }
0x97: {  	_ =	strace $0x8FFFFFFF  }
0x98: {  	s19 =	sld [smem:$0x3FDB];
	_ =	sdelay $0x1  }
0x99: {  	s4 =	simm.s32 $_scs_section_size  }
0x9a: {  	s5 =	simm.s32 $_size__tile_overlayer_lowered;
	s6 =	simm.s32 $_tile_overlayer_lowered  }
0x9b: {  	s22 =	simm.s32 $0x1BFF;
	s21 =	sshll.u32 s6, $0x1;
	s3 =	sadd.s32 s4, s19  }
0x9c: {  	s7 =	simm.s32 $0x0;
	s20 =	sshll.u32 s5, $0x1;
	s5 =	sadd.s32 s21, s3  }
0x9d: {  	[timem:s7], [sflag:s22] =	dma.local [hbm:s5], s20  }
0x9e: {  	_ =	swait.ge [sflag:s22], s20  }
0x9f: {  	s4 =	ssub.s32 $0x0, s20;
	[sflag:s22] =	ssyncset.done $0x0  }
0xa0: {  	[sflag:s22] =	ssyncadd.s32 s4;
	_ =	sdelay $0x1  }
0xa1: {  	s23 =	simm.s32 $0x1B8B  }
0xa2: {  	_ =	swait.ge [sflag:s23], $0x1  }
0xa3: {  	[sflag:s23] =	ssyncset.done $0x0  }
0xa4: {  	s25 =	simm.s32 $0x1B8E;
	s24 =	sld [smem:$0x3FFE];
	[sflag:s23] =	ssyncadd.s32 $0xFFFFFFFF  }
0xa5: {  	s26 =	simm.s32 $execute0_lowered;
	[smem:$0x3FD2] =	sst s25  }
0xa6: {  	s5 =	sshll.u32 s26, $0x1;
	_ =	strace $0x80000046;
	[dreg:$0x1] =	wrdreg $0xFFFFFFFF  }
0xa7: {  	s28 =	simm.s32 $_size_execute0_lowered;
	s3 =	sadd.s32 s3, s5;
	[dreg:$0x0] =	wrdreg $0x0  }
0xa8: {  	s5 =	sshll.u32 s28, $0x1;
	[dreg:$0x2] =	wrdreg s3  }
0xa9: {  	[dreg:$0x3] =	wrdreg s5  }
0xaa: {  	[dreg:$0x4] =	wrdreg $0xC0  }
0xab: {  	_ =	task [dreg:s7], $0x5FFFF  }
0xac: {  	[dreg:$0x1] =	wrdreg $0xFFFFFFFF  }
0xad: {  	[dreg:$0x0] =	wrdreg $0x60  }
0xae: {  	[dreg:$0x2] =	wrdreg s24  }
0xaf: {  	[dreg:$0x3] =	wrdreg s2  }
0xb0: {  	[dreg:$0x4] =	wrdreg $0xEC000  }
0xb1: {  	[dreg:$0x5] =	wrdreg $0x9  }
0xb2: {  	_ =	task.clear_ibuf [dreg:s7], $0x6FFFF;
	_ =	strace $0x90000046  }
0xb3: {  	s29 =	simm.s32 $0x9;
	_ =	strace $0x80000048  }
0xb4: {  	_ =	swait.ge [sflag:s29], $0x1  }
0xb5: {  	[sflag:s29] =	ssyncadd.s32 $0xFFFFFFFF  }
0xb6: {  	_ =	strace $0x90000048  }
0xb7: {  	_ =	sfence  }
0xb8: {  	s30 =	sld [smem:$0x0];
	_ =	sdelay $0x2  }
0xb9: {  	s31 =	sshll.u32 s1, $0xD;
	s1 =	sshrl.u32 s1, $0x2  }
0xba: {  	s3 =	sand.u32 $0x4000, s31;
	s1 =	sadd.s32 s1, s30  }
0xbb: {  	s0 =	sor.u32 s3, s0;
	s1 =	sshll.u32 s1, $0x11  }
0xbc: {  	s0 =	sor.u32 s1, s0  }
0xbd: {  	s0 =	sadd.s32 $0x8F2B, s0  }
0xbe: {  	[sflag:s0] =	ssyncadd.remote.s32 $0x1  }
0xbf: {  	_ =	sfence.sel $0xFFFF  }
0xc0: {  	[dreg:$0x0] =	wrdreg $0xFFFFFFFF;
	(pc) =	sbr.abs _section_cstart, $3  }
0xc1: {  	[dreg:$0x1] =	wrdreg $0xFFFFFFFF  }
0xc2: {  	_ =	task.clear_ibuf [dreg:s7], $0x2FFFF;
	_ =	strace $0x9FFFFFFF  }
0xc3: {  	(tm) =	ssettm $0x7FFFFFFF  }
tec
execute0_lowered:
.L_overlay_start_1:
0x0: {  	(tag) =	ssettag $0x1  }
0x1: {  	s0 =	rddreg [dreg:$0x0]  }
0x2: {  	s7 =	rddreg [dreg:$0x1];
	s1 =	srdreg.scid  }
0x3: {  	s2 =	stileid.u32;
	s8 =	rddreg [dreg:$0x2]  }
0x4: {  	s3 =	simm.s32 $0x0;
	s28 =	simm.s32 $0x8800;
	s29 =	simm.s32 $0x1  }
0x5: {  	s30 =	simm.s32 $0x4;
	s1 =	sand.u32 $0x1, s1;
	s4 =	sshll.u32 s2, $0x1  }
0x6: {  	[smem:$0x7FF] =	sst s3;
	s9 =	sadd.s32 $0x600, s0;
	s20 =	sadd.s32 $0x1000, s7  }
0x7: {  	s21 =	sadd.s32 $0x2000, s7;
	_ =	strace $0x80000047;
	[dreg:$0x4] =	wrdreg s9  }
0x8: {  	s22 =	sadd.s32 $0x3000, s7;
	s23 =	sadd.s32 $0x4000, s7;
	[dreg:$0x7] =	wrdreg s20  }
0x9: {  	s24 =	sadd.s32 $0x5000, s7;
	s25 =	sadd.s32 $0x6000, s7;
	[dreg:$0x8] =	wrdreg s21  }
0xa: {  	s26 =	sadd.s32 $0x7000, s7;
	s14 =	sadd.s32 $0x8000, s7;
	[dreg:$0x9] =	wrdreg s22  }
0xb: {  	s15 =	sadd.s32 $0x9000, s7;
	s16 =	sadd.s32 $0xA000, s7;
	[dreg:$0xa] =	wrdreg s23  }
0xc: {  	s17 =	sadd.s32 $0xB000, s7;
	s18 =	sadd.s32 $0xC000, s7;
	[dreg:$0xb] =	wrdreg s24  }
0xd: {  	p0 =	sne.s32 s2, $0x0;
	s2 =	simm.s32 $0x0;
	[dreg:$0xc] =	wrdreg s25  }
0xe: {  	s4 =	sor.u32 s1, s4;
	s1 =	ssub.s32 $0x2, s1;
	[dreg:$0xd] =	wrdreg s26  }
0xf: {  	v0 =	vlaneseq.u32;
	s20 =	sadd.s32 $0xE000, s7;
	s5 =	smul.u32 $0xC80, s4;
	s6 =	sshrl.u32 s1, $0x1  }
.Ltmp0:
0x10: {  	v0 =	vmul.u32 $0x48, v0;
	s19 =	sshll.u32 s4, $0x7;
	s1 =	ssub.s32 s1, s6;
	(pc) =	sbr.rel .LBB2_1-.Ltmp0, $4  }
0x11: {  	[dreg:$0x6] =	wrdreg s19;
	s0 =	sadd.s32 s5, s0;
	s31 =	smax.u32 s1, $0x1  }
0x12: {  	s21 =	sadd.s32 $0xF000, s7;
	v1 =	vadd.s32 $0x480, v0;
	s0 =	sadd.s32 $0x4E00, s0;
	[dreg:$0xe] =	wrdreg s31  }
0x13: {  	s26 =	simm.s32 $0x6400;
	v2 =	vadd.s32 $0x900, v0;
	v3 =	vadd.s32 $0xD80, v0;
	v4 =	vadd.s32 $0x1200, v0;
	[dreg:$0x5] =	wrdreg s0;
	s0 =	sshrl.u32 @!p0 s8, $0x3  }
0x14: {  	v5 =	vadd.s32 $0x1680, v0;
	v6 =	vadd.s32 $0x1B00, v0;
	v7 =	vadd.s32 $0x1F80, v0;
	s19 =	sadd.s32 $0xD000, s7;
	[dreg:$0xf] =	wrdreg s0;
	s0 =	simm.s32 $0x2  }
.LBB2_14:
0x15: {  	s1 =	simm.s32 $0x3  }
0x16: {  	_ =	swait.ge [sflag:s1], $0x400  }
0x17: {  	[sflag:s1] =	ssyncset.done $0x0  }
0x18: {  	[sflag:s1] =	ssyncadd.s32 $0xFFFFFC00  }
0x19: {  	_ =	swait.ge [sflag:s1], $0x400  }
0x1a: {  	[sflag:s1] =	ssyncset.done $0x0  }
0x1b: {  	[sflag:s1] =	ssyncadd.s32 $0xFFFFFC00  }
0x1c: {  	_ =	swait.ge [sflag:s1], $0x400  }
0x1d: {  	[sflag:s1] =	ssyncset.done $0x0  }
0x1e: {  	[sflag:s1] =	ssyncadd.s32 $0xFFFFFC00  }
0x1f: {  	_ =	swait.ge [sflag:s1], $0x400  }
0x20: {  	[sflag:s1] =	ssyncset.done $0x0  }
0x21: {  	[sflag:s1] =	ssyncadd.s32 $0xFFFFFC00  }
0x22: {  	_ =	swait.ge [sflag:s1], $0x400  }
0x23: {  	[sflag:s1] =	ssyncset.done $0x0  }
0x24: {  	[sflag:s1] =	ssyncadd.s32 $0xFFFFFC00  }
0x25: {  	_ =	swait.ge [sflag:s1], $0x400  }
0x26: {  	[sflag:s1] =	ssyncset.done $0x0  }
0x27: {  	[sflag:s1] =	ssyncadd.s32 $0xFFFFFC00  }
0x28: {  	_ =	swait.ge [sflag:s1], $0x400  }
0x29: {  	[sflag:s1] =	ssyncset.done $0x0  }
0x2a: {  	[sflag:s1] =	ssyncadd.s32 $0xFFFFFC00  }
0x2b: {  	_ =	swait.ge [sflag:s1], $0x400  }
0x2c: {  	[sflag:s1] =	ssyncset.done $0x0  }
0x2d: {  	[sflag:s1] =	ssyncadd.s32 $0xFFFFFC00  }
0x2e: {  	_ =	swait.ge [sflag:s30], $0x400  }
0x2f: {  	[sflag:s30] =	ssyncset.done $0x0  }
0x30: {  	[sflag:s30] =	ssyncadd.s32 $0xFFFFFC00  }
0x31: {  	_ =	swait.ge [sflag:s30], $0x400  }
0x32: {  	[sflag:s30] =	ssyncset.done $0x0  }
0x33: {  	[sflag:s30] =	ssyncadd.s32 $0xFFFFFC00  }
0x34: {  	_ =	swait.ge [sflag:s30], $0x400  }
0x35: {  	[sflag:s30] =	ssyncset.done $0x0  }
0x36: {  	[sflag:s30] =	ssyncadd.s32 $0xFFFFFC00  }
0x37: {  	_ =	swait.ge [sflag:s30], $0x400  }
0x38: {  	[sflag:s30] =	ssyncset.done $0x0  }
0x39: {  	[sflag:s30] =	ssyncadd.s32 $0xFFFFFC00  }
0x3a: {  	_ =	swait.ge [sflag:s30], $0x400  }
0x3b: {  	[sflag:s30] =	ssyncset.done $0x0  }
0x3c: {  	[sflag:s30] =	ssyncadd.s32 $0xFFFFFC00  }
0x3d: {  	_ =	swait.ge [sflag:s30], $0x400  }
0x3e: {  	[sflag:s30] =	ssyncset.done $0x0  }
0x3f: {  	[sflag:s30] =	ssyncadd.s32 $0xFFFFFC00  }
0x40: {  	_ =	swait.ge [sflag:s30], $0x400  }
0x41: {  	[sflag:s30] =	ssyncset.done $0x0  }
0x42: {  	[sflag:s30] =	ssyncadd.s32 $0xFFFFFC00  }
0x43: {  	_ =	swait.ge [sflag:s30], $0x400  }
0x44: {  	s2 =	rddreg [dreg:$0x10]  }
0x45: {  	s31 =	rddreg [dreg:$0xe];
	s2 =	sadd.s32 $0x1, s2  }
0x46: {  	p1 =	sne.s32 s2, s31  }
.Ltmp1:
0x47: {  	_ = 	snop;
	(pc) =	sbr.rel @!p1 .LBB2_15-.Ltmp1, $3  }
0x48: {  	_ =	sdelay $0x1  }
0x49: {  	[sflag:s30] =	ssyncset.done $0x0  }
0x4a: {  	[sflag:s30] =	ssyncadd.s32 $0xFFFFFC00  }
.LBB2_1:
0x4b: {  	[dreg:$0x10] =	wrdreg s2  }
0x4c: {  	s2 =	rddreg [dreg:$0x4]  }
0x4d: {  	s1 =	simm.s32 @!p0 $0x1C05;
	s4 =	rddreg [dreg:$0xf]  }
0x4e: {  	[spmem:s4], [sflag:s1] =	dma.local @!p0 [hbm:s2], $0x4800  }
0x4f: {  	s1 =	simm.s32 @!p0 $0x5  }
0x50: {  	_ =	swait.ge @!p0 [sflag:s1], $0x4800  }
0x51: {  	[sflag:s1] =	ssyncset.done @!p0 $0x0  }
0x52: {  	[sflag:s1] =	ssyncadd.s32 @!p0 $0xFFFFB800  }
0x53: {  	[bflag:$0x0] =	sbarrier.arrive $0xFFFF  }
0x54: {  	s31 =	simm.s32 $0x5;
	s25 =	rddreg [dreg:$0x5]  }
0x55: {  	[tilespmem:s3], [sflag:$0x5] =	stream.linear.gather [hbm4b:s25+s3], $0x6400, $0x38;
	[tilespmem:$0x11000] =	vst v63  }
0x56: {  	_ =	swait.ge [sflag:s31], $0x6400  }
0x57: {  	[sflag:s31] =	ssyncset.done $0x0  }
0x58: {  	s1 =	simm.s32 $0x0;
	[sflag:s31] =	ssyncadd.s32 $0xFFFF9C00  }
0x59: {  	v10 =	vld [tilespmem:s1+$0x0]  }
0x5a: {  	v12 =	vld [tilespmem:s1+$0x10]  }
0x5b: {  	v11 =	vld [tilespmem:s1+$0x20]  }
0x5c: {  	v9 =	vld [tilespmem:s1+$0x30]  }
0x5d: {  	v8 =	vld [tilespmem:s1+$0x40]  }
0x5e: {  	v13 =	vand.u32 $0x7FF, v10;
	v10 =	vld [tilespmem:s1+$0x50]  }
0x5f: {  	s2 =	simm.s32 $0x200;
	[tilespmem:s1+$0x0] =	vst v13;
	v13 =	vand.u32 $0x7FF, v12;
	v12 =	vld [tilespmem:s1+$0x60]  }
.LBB2_2:
0x60: {  	s4 =	sshra.s32 s2, $0x2;
	p1 =	sne.s32 s2, $0x18E00;
	[tilespmem:s1+$0x10] =	vst v13;
	v11 =	vand.u32 $0x7FF, v11;
	v13 =	vld [tilespmem:s1+$0x70]  }
0x61: {  	v14 =	vld [tilespmem:s4+$0x0];
	[tilespmem:s1+$0x20] =	vst v11;
	v9 =	vand.u32 $0x7FF, v9  }
0x62: {  	v15 =	vld [tilespmem:s4+$0x10];
	[tilespmem:s1+$0x30] =	vst v9;
	v8 =	vand.u32 $0x7FF, v8  }
.Ltmp2:
0x63: {  	v11 =	vld [tilespmem:s4+$0x20];
	[tilespmem:s1+$0x40] =	vst v8;
	v8 =	vand.u32 $0x7FF, v10;
	(pc) =	sbr.rel @p1 .LBB2_2-.Ltmp2, $4  }
0x64: {  	v9 =	vld [tilespmem:s4+$0x30];
	[tilespmem:s1+$0x50] =	vst v8;
	v10 =	vand.u32 $0x7FF, v12  }
0x65: {  	v8 =	vld [tilespmem:s4+$0x40];
	[tilespmem:s1+$0x60] =	vst v10;
	v12 =	vand.u32 $0x7FF, v13  }
0x66: {  	v13 =	vand.u32 $0x7FF, v14;
	v10 =	vld [tilespmem:s4+$0x50];
	[tilespmem:s1+$0x70] =	vst v12;
	s1 =	smov.u32 s4  }
0x67: {  	s2 =	sadd.s32 $0x200, s2;
	[tilespmem:s1+$0x0] =	vst v13;
	v13 =	vand.u32 $0x7FF, v15;
	v12 =	vld [tilespmem:s1+$0x60]  }
0x68: {  	[tilespmem:s1+$0x10] =	vst v13;
	v11 =	vand.u32 $0x7FF, v11;
	v63 =	vld [tilespmem:s1+$0x70]  }
0x69: {  	[tilespmem:s1+$0x20] =	vst v11;
	v9 =	vand.u32 $0x7FF, v9  }
0x6a: {  	[tilespmem:s1+$0x30] =	vst v9;
	v8 =	vand.u32 $0x7FF, v8  }
0x6b: {  	[tilespmem:s1+$0x40] =	vst v8;
	v8 =	vand.u32 $0x7FF, v10  }
0x6c: {  	[tilespmem:s1+$0x50] =	vst v8;
	v8 =	vand.u32 $0x7FF, v12  }
0x6d: {  	[tilespmem:s1+$0x60] =	vst v8;
	v8 =	vand.u32 $0x7FF, v63  }
0x6e: {  	s4 =	simm.s32 $0x0;
	s31 =	rddreg [dreg:$0x2];
	s2 =	simm.s32 $0x80;
	[tilespmem:s1+$0x70] =	vst v8  }
0x6f: {  	[tilespmem:s26], [sflag:$0x1] =	stream.indirect.gather [spmem:s31], $0x48, s4, s2, $0xb8;
	[tilespmem:$0x11000] =	vst v63  }
0x70: {  	s4 =	simm.s32 $0x0  }
0x71: {  	[tilespmem:s28], [sflag:$0x2] =	stream.indirect.gather [spmem:s31], $0x48, s2, s2, $0xb8;
	[tilespmem:$0x11000] =	vst v63  }
.LBB2_4:
0x72: {  	_ =	swait.ge [sflag:s29], $0x2400  }
0x73: {  	p1 =	seq.s32 s4, $0x0;
	[sflag:s29] =	ssyncset.done $0x0  }
0x74: {  	s1 =	simm.s32 @!p1 $0x3;
	[sflag:s29] =	ssyncadd.s32 $0xFFFFDC00  }
0x75: {  	_ =	swait.ge @!p1 [sflag:s1], $0x400  }
0x76: {  	[sflag:s1] =	ssyncset.done @!p1 $0x0  }
0x77: {  	[sflag:s1] =	ssyncadd.s32 @!p1 $0xFFFFFC00  }
0x78: {  	_ =	swait.ge @!p1 [sflag:s1], $0x400  }
0x79: {  	[sflag:s1] =	ssyncset.done @!p1 $0x0  }
0x7a: {  	[sflag:s1] =	ssyncadd.s32 @!p1 $0xFFFFFC00  }
0x7b: {  	_ =	swait.ge @!p1 [sflag:s1], $0x400  }
0x7c: {  	[sflag:s1] =	ssyncset.done @!p1 $0x0  }
0x7d: {  	[sflag:s1] =	ssyncadd.s32 @!p1 $0xFFFFFC00  }
0x7e: {  	_ =	swait.ge @!p1 [sflag:s1], $0x400  }
0x7f: {  	[sflag:s1] =	ssyncset.done @!p1 $0x0  }
0x80: {  	[sflag:s1] =	ssyncadd.s32 @!p1 $0xFFFFFC00  }
0x81: {  	_ =	swait.ge @!p1 [sflag:s1], $0x400  }
0x82: {  	[sflag:s1] =	ssyncset.done @!p1 $0x0  }
0x83: {  	[sflag:s1] =	ssyncadd.s32 @!p1 $0xFFFFFC00  }
0x84: {  	_ =	swait.ge @!p1 [sflag:s1], $0x400  }
0x85: {  	s2 =	simm.s32 $0x3;
	[sflag:s1] =	ssyncset.done @!p1 $0x0  }
0x86: {  	s5 =	simm.s32 $0x1;
	v8 =	vmov s2;
	[sflag:s1] =	ssyncadd.s32 @!p1 $0xFFFFFC00  }
0x87: {  	s13 =	simm.s32 $0x2;
	v9 =	vmov s5;
	v13 =	vand.u32 $0x3F, v8;
	_ =	swait.ge @!p1 [sflag:s1], $0x400  }
0x88: {  	s22 =	simm.s32 $0x0;
	v16 =	vand.u32 $0x3D, v9;
	v8 =	vmov s13;
	v9 =	vadd.s32 v0, v13;
	[sflag:s1] =	ssyncset.done @!p1 $0x0  }
0x89: {  	v10 =	vadd.s32 v0, v16;
	v17 =	vand.u32 $0x3E, v8;
	v8 =	vmov s22;
	[sflag:s1] =	ssyncadd.s32 @!p1 $0xFFFFFC00  }
0x8a: {  	v11 =	vadd.s32 v0, v17;
	v12 =	vand.u32 $0x3C, v8;
	_ =	swait.ge @!p1 [sflag:s1], $0x400  }
0x8b: {  	v8 =	vadd.s32 v0, v12;
	[sflag:s1] =	ssyncset.done @!p1 $0x0  }
0x8c: {  	[sflag:s1] =	ssyncadd.s32 @!p1 $0xFFFFFC00  }
0x8d: {  	v9 =	vld.idx.msk [tilespmem:v9+s26+$0x0], $0xffff  }
0x8e: {  	s23 =	simm.s32 $0x0;
	v14 =	vadd.s32 v1, v13;
	v10 =	vld.idx.msk [tilespmem:v10+s26+$0x0], $0xffff  }
0x8f: {  	s25 =	simm.s32 $0x180;
	s7 =	sand.u32 $0x1C00, s23;
	v15 =	vadd.s32 v1, v16;
	v11 =	vld.idx.msk [tilespmem:v11+s26+$0x0], $0xffff  }
0x90: {  	s6 =	simm.s32 $0x80;
	s2 =	sand.u32 $0x380, s25;
	s7 =	sadd.s32 $0xAC00, s7;
	v18 =	vadd.s32 v1, v17;
	v8 =	vld.idx.msk [tilespmem:v8+s26+$0x0], $0xffff  }
0x91: {  	s8 =	simm.s32 $0x100;
	s6 =	sand.u32 $0x280, s6;
	s5 =	sor.u32 s2, s7;
	v19 =	vadd.s32 v1, v12  }
0x92: {  	s8 =	sand.u32 $0x300, s8;
	s24 =	sor.u32 s6, s7;
	[tilespmem:s5+$0x0] =	vst v9  }
0x93: {  	s31 =	sor.u32 s8, s7;
	s1 =	sand.u32 $0x200, s23;
	[tilespmem:s24+$0x0] =	vst v10;
	v9 =	vld.idx.msk [tilespmem:v14+s26+$0x0], $0xffff  }
0x94: {  	s1 =	sor.u32 s1, s7;
	[tilespmem:s31+$0x0] =	vst v11;
	v11 =	vadd.s32 v2, v13;
	v10 =	vld.idx.msk [tilespmem:v15+s26+$0x0], $0xffff  }
0x95: {  	[tilespmem:s1+$0x0] =	vst v8;
	v14 =	vld.idx.msk [tilespmem:v18+s26+$0x0], $0xffff;
	v15 =	vadd.s32 v2, v16  }
0x96: {  	v8 =	vadd.s32 v2, v17;
	v18 =	vld.idx.msk [tilespmem:v19+s26+$0x0], $0xffff  }
0x97: {  	v19 =	vadd.s32 v2, v12  }
0x98: {  	[tilespmem:s5+$0x10] =	vst v9  }
0x99: {  	[tilespmem:s24+$0x10] =	vst v10;
	v9 =	vld.idx.msk [tilespmem:v11+s26+$0x0], $0xffff  }
0x9a: {  	[tilespmem:s31+$0x10] =	vst v14;
	v14 =	vadd.s32 v3, v13;
	v10 =	vld.idx.msk [tilespmem:v15+s26+$0x0], $0xffff  }
0x9b: {  	s9 =	simm.s32 $0x4;
	v20 =	vadd.s32 v3, v16;
	[tilespmem:s1+$0x10] =	vst v18;
	v15 =	vld.idx.msk [tilespmem:v8+s26+$0x0], $0xffff  }
0x9c: {  	s10 =	simm.s32 $0x5;
	v18 =	vadd.s32 v3, v17;
	v11 =	vmov s9;
	v19 =	vld.idx.msk [tilespmem:v19+s26+$0x0], $0xffff  }
0x9d: {  	v22 =	vadd.s32 v3, v12;
	v8 =	vand.u32 $0x3C, v11;
	v11 =	vmov s10  }
0x9e: {  	v21 =	vadd.s32 v0, v8;
	v11 =	vand.u32 $0x3D, v11;
	[tilespmem:s5+$0x20] =	vst v9  }
0x9f: {  	v9 =	vadd.s32 v0, v11;
	[tilespmem:s24+$0x20] =	vst v10;
	v10 =	vld.idx.msk [tilespmem:v14+s26+$0x0], $0xffff  }
0xa0: {  	s11 =	simm.s32 $0x7;
	[tilespmem:s31+$0x20] =	vst v15;
	v15 =	vadd.s32 v4, v13;
	v20 =	vld.idx.msk [tilespmem:v20+s26+$0x0], $0xffff  }
0xa1: {  	v23 =	vadd.s32 v4, v16;
	[tilespmem:s1+$0x20] =	vst v19;
	v18 =	vld.idx.msk [tilespmem:v18+s26+$0x0], $0xffff;
	v14 =	vmov s11  }
0xa2: {  	s12 =	simm.s32 $0x6;
	v19 =	vadd.s32 v4, v17;
	v22 =	vld.idx.msk [tilespmem:v22+s26+$0x0], $0xffff;
	v14 =	vand.u32 $0x3F, v14  }
0xa3: {  	v24 =	vmov s12;
	v21 =	vld.idx.msk [tilespmem:v21+s26+$0x0], $0xffff;
	v25 =	vadd.s32 v0, v14  }
0xa4: {  	v26 =	vld.idx.msk [tilespmem:v9+s26+$0x0], $0xffff;
	v9 =	vand.u32 $0x3E, v24;
	v24 =	vadd.s32 v4, v12;
	[tilespmem:s5+$0x30] =	vst v10  }
0xa5: {  	[tilespmem:s24+$0x30] =	vst v20;
	v20 =	vadd.s32 v0, v9;
	v15 =	vld.idx.msk [tilespmem:v15+s26+$0x0], $0xffff  }
0xa6: {  	s7 =	simm.s32 $0x8;
	[tilespmem:s31+$0x30] =	vst v18;
	v18 =	vadd.s32 v5, v13;
	v23 =	vld.idx.msk [tilespmem:v23+s26+$0x0], $0xffff  }
0xa7: {  	v27 =	vadd.s32 v5, v16;
	v10 =	vmov s7;
	v19 =	vld.idx.msk [tilespmem:v19+s26+$0x0], $0xffff  }
0xa8: {  	[tilespmem:s1+$0x30] =	vst v22;
	v10 =	vand.u32 $0x3C, v10;
	v22 =	vld.idx.msk [tilespmem:v25+s26+$0x0], $0xffff;
	v25 =	vadd.s32 v5, v17  }
0xa9: {  	s13 =	simm.s32 $0x200;
	s6 =	simm.s32 $0x380;
	v28 =	vadd.s32 v0, v10;
	v24 =	vld.idx.msk [tilespmem:v24+s26+$0x0], $0xffff  }
0xaa: {  	s22 =	simm.s32 $0x300;
	s8 =	sand.u32 $0x200, s13;
	s11 =	sand.u32 $0x1C00, s13;
	v29 =	vadd.s32 v1, v14;
	v20 =	vld.idx.msk [tilespmem:v20+s26+$0x0], $0xffff;
	[tilespmem:s5+$0x40] =	vst v15  }
0xab: {  	s12 =	sand.u32 $0x380, s6;
	s22 =	sand.u32 $0x300, s22;
	v30 =	vadd.s32 v1, v11;
	s10 =	sadd.s32 $0xAC00, s11;
	[tilespmem:s24+$0x40] =	vst v23;
	v18 =	vld.idx.msk [tilespmem:v18+s26+$0x0], $0xffff  }
0xac: {  	s9 =	simm.s32 $0x280;
	s23 =	sor.u32 s22, s10;
	s22 =	sor.u32 s8, s10;
	v23 =	vadd.s32 v1, v9;
	[tilespmem:s31+$0x40] =	vst v19;
	v27 =	vld.idx.msk [tilespmem:v27+s26+$0x0], $0xffff  }
0xad: {  	s9 =	sand.u32 $0x280, s9;
	s2 =	sor.u32 s12, s10;
	[tilespmem:s22+$0x0] =	vst v21;
	v19 =	vld.idx.msk [tilespmem:v25+s26+$0x0], $0xffff;
	v25 =	vadd.s32 v6, v13  }
0xae: {  	s25 =	sor.u32 s9, s10;
	v15 =	vld.idx.msk [tilespmem:v28+s26+$0x0], $0xffff;
	v28 =	vadd.s32 v1, v8;
	[tilespmem:s2+$0x0] =	vst v22  }
0xaf: {  	[tilespmem:s25+$0x0] =	vst v26;
	v26 =	vadd.s32 v5, v12;
	v22 =	vld.idx.msk [tilespmem:v29+s26+$0x0], $0xffff  }
0xb0: {  	v29 =	vld.idx.msk [tilespmem:v30+s26+$0x0], $0xffff;
	v30 =	vadd.s32 v2, v14;
	[tilespmem:s23+$0x0] =	vst v20  }
0xb1: {  	v20 =	vadd.s32 v6, v16;
	v23 =	vld.idx.msk [tilespmem:v23+s26+$0x0], $0xffff;
	[tilespmem:s5+$0x50] =	vst v18  }
0xb2: {  	[tilespmem:s1+$0x40] =	vst v24;
	v18 =	vadd.s32 v2, v11;
	v21 =	vld.idx.msk [tilespmem:v25+s26+$0x0], $0xffff  }
0xb3: {  	[tilespmem:s24+$0x50] =	vst v27;
	v25 =	vld.idx.msk [tilespmem:v28+s26+$0x0], $0xffff;
	v28 =	vadd.s32 v2, v9  }
0xb4: {  	v24 =	vld.idx.msk [tilespmem:v26+s26+$0x0], $0xffff;
	[tilespmem:s2+$0x10] =	vst v22;
	v22 =	vadd.s32 v6, v17  }
0xb5: {  	v13 =	vadd.s32 v7, v13;
	[tilespmem:s31+$0x50] =	vst v19;
	v27 =	vld.idx.msk [tilespmem:v30+s26+$0x0], $0xffff  }
0xb6: {  	v26 =	vadd.s32 v2, v8;
	[tilespmem:s25+$0x10] =	vst v29;
	v20 =	vld.idx.msk [tilespmem:v20+s26+$0x0], $0xffff  }
0xb7: {  	v29 =	vadd.s32 v3, v14;
	[tilespmem:s23+$0x10] =	vst v23;
	v18 =	vld.idx.msk [tilespmem:v18+s26+$0x0], $0xffff  }
0xb8: {  	s13 =	simm.s32 $0x9;
	v23 =	vadd.s32 v6, v12;
	v28 =	vld.idx.msk [tilespmem:v28+s26+$0x0], $0xffff;
	[tilespmem:s5+$0x60] =	vst v21  }
0xb9: {  	v21 =	vmov s13;
	[tilespmem:s22+$0x10] =	vst v25;
	v25 =	vadd.s32 v3, v11;
	v22 =	vld.idx.msk [tilespmem:v22+s26+$0x0], $0xffff  }
0xba: {  	v32 =	vadd.s32 v3, v9;
	v30 =	vld.idx.msk [tilespmem:v13+s26+$0x0], $0xffff;
	v13 =	vand.u32 $0x3D, v21  }
0xbb: {  	v31 =	vld.idx.msk [tilespmem:v26+s26+$0x0], $0xffff;
	[tilespmem:s2+$0x20] =	vst v27;
	v33 =	vadd.s32 v0, v13  }
0xbc: {  	v19 =	vadd.s32 v3, v8;
	[tilespmem:s1+$0x50] =	vst v24;
	v24 =	vld.idx.msk [tilespmem:v29+s26+$0x0], $0xffff  }
0xbd: {  	v26 =	vadd.s32 v7, v16;
	v21 =	vld.idx.msk [tilespmem:v23+s26+$0x0], $0xffff;
	[tilespmem:s25+$0x20] =	vst v18  }
0xbe: {  	v23 =	vadd.s32 v7, v17;
	v25 =	vld.idx.msk [tilespmem:v25+s26+$0x0], $0xffff;
	[tilespmem:s23+$0x20] =	vst v28  }
0xbf: {  	v27 =	vadd.s32 v4, v14;
	v17 =	vld.idx.msk [tilespmem:v32+s26+$0x0], $0xffff;
	[tilespmem:s5+$0x70] =	vst v30  }
0xc0: {  	s9 =	simm.s32 $0xB;
	s8 =	simm.s32 $0xC;
	v28 =	vadd.s32 v4, v11;
	s5 =	sshll.u32 s4, $0xA;
	[tilespmem:s22+$0x20] =	vst v31;
	v16 =	vld.idx.msk [tilespmem:v33+s26+$0x0], $0xffff  }
.LBB2_5:
0xc1: {  	p2 =	slt.u32 s8, $0x3C;
	v18 =	vmov s9;
	v19 =	vld.idx.msk [tilespmem:v19+s26+$0x0], $0xffff;
	v29 =	vadd.s32 v4, v9;
	[tilespmem:s24+$0x60] =	vst v20  }
0xc2: {  	s9 =	sadd.s32 $0x2, s7;
	v30 =	vadd.s32 v7, v12;
	v12 =	vmovc v8;
	v8 =	vmov v10;
	s7 =	smov.u32 s8;
	v20 =	vand.u32 $0x3F, v18;
	v26 =	vld.idx.msk [tilespmem:v26+s26+$0x0], $0xffff;
	[tilespmem:s31+$0x60] =	vst v22  }
0xc3: {  	v10 =	vmov s9;
	v22 =	vadd.s32 v0, v20;
	[tilespmem:s2+$0x30] =	vst v24;
	v23 =	vld.idx.msk [tilespmem:v23+s26+$0x0], $0xffff  }
0xc4: {  	v18 =	vand.u32 $0x3E, v10;
	v24 =	vadd.s32 v4, v12;
	[tilespmem:s25+$0x30] =	vst v25;
	v25 =	vld.idx.msk [tilespmem:v27+s26+$0x0], $0xffff  }
0xc5: {  	v27 =	vadd.s32 v0, v18;
	v28 =	vld.idx.msk [tilespmem:v28+s26+$0x0], $0xffff;
	[tilespmem:s23+$0x30] =	vst v17  }
0xc6: {  	v17 =	vld.idx.msk [tilespmem:v29+s26+$0x0], $0xffff;
	v29 =	vadd.s32 v5, v14;
	[tilespmem:s1+$0x60] =	vst v21  }
0xc7: {  	v10 =	vmov s8;
	[tilespmem:s22+$0x30] =	vst v19;
	v19 =	vadd.s32 v5, v11;
	v21 =	vld.idx.msk [tilespmem:v30+s26+$0x0], $0xffff  }
0xc8: {  	v10 =	vand.u32 $0x3C, v10;
	v30 =	vadd.s32 v5, v9;
	v22 =	vld.idx.msk [tilespmem:v22+s26+$0x0], $0xffff;
	[tilespmem:s24+$0x70] =	vst v26;
	s24 =	smov.u32 s25  }
0xc9: {  	s6 =	sadd.s32 $0x200, s6;
	v26 =	vadd.s32 v0, v10;
	v24 =	vld.idx.msk [tilespmem:v24+s26+$0x0], $0xffff;
	[tilespmem:s31+$0x70] =	vst v23;
	s31 =	smov.u32 s23  }
0xca: {  	s9 =	sadd.s32 $0xFFFFFE80, s6;
	s10 =	sadd.s32 $0xFFFFFF00, s6;
	s23 =	sadd.s32 $0xFFFFFF80, s6;
	v23 =	vld.idx.msk [tilespmem:v27+s26+$0x0], $0xffff;
	v27 =	vadd.s32 v1, v20;
	[tilespmem:s2+$0x40] =	vst v25  }
0xcb: {  	s10 =	sand.u32 $0x280, s10;
	s25 =	sand.u32 $0x200, s9;
	s9 =	sand.u32 $0x1C00, s9;
	v25 =	vadd.s32 v1, v13;
	[tilespmem:s24+$0x40] =	vst v28;
	v28 =	vld.idx.msk [tilespmem:v29+s26+$0x0], $0xffff  }
0xcc: {  	s11 =	sadd.s32 $0xAC00, s9;
	s9 =	sand.u32 $0x380, s6;
	s23 =	sand.u32 $0x300, s23;
	v29 =	vadd.s32 v1, v18;
	v19 =	vld.idx.msk [tilespmem:v19+s26+$0x0], $0xffff;
	[tilespmem:s31+$0x40] =	vst v17  }
0xcd: {  	s12 =	sor.u32 s25, s11;
	s25 =	sor.u32 s10, s11;
	s9 =	sor.u32 s9, s11;
	v17 =	vld.idx.msk [tilespmem:v30+s26+$0x0], $0xffff;
	v30 =	vadd.s32 v6, v14;
	[tilespmem:s1+$0x70] =	vst v21  }
0xce: {  	s23 =	sor.u32 s23, s11;
	s1 =	smov.u32 s22;
	s22 =	smov.u32 s12;
	v21 =	vld.idx.msk [tilespmem:v26+s26+$0x0], $0xffff;
	v26 =	vadd.s32 v1, v8;
	[tilespmem:s9+$0x0] =	vst v22  }
0xcf: {  	v22 =	vadd.s32 v5, v12;
	[tilespmem:s25+$0x0] =	vst v16;
	v16 =	vld.idx.msk [tilespmem:v27+s26+$0x0], $0xffff  }
0xd0: {  	v25 =	vld.idx.msk [tilespmem:v25+s26+$0x0], $0xffff;
	[tilespmem:s23+$0x0] =	vst v23;
	v23 =	vadd.s32 v6, v11  }
0xd1: {  	v27 =	vld.idx.msk [tilespmem:v29+s26+$0x0], $0xffff;
	v29 =	vadd.s32 v2, v20;
	[tilespmem:s2+$0x50] =	vst v28  }
0xd2: {  	v28 =	vadd.s32 v2, v13;
	[tilespmem:s22+$0x0] =	vst v15;
	v30 =	vld.idx.msk [tilespmem:v30+s26+$0x0], $0xffff  }
0xd3: {  	v31 =	vadd.s32 v2, v18;
	v26 =	vld.idx.msk [tilespmem:v26+s26+$0x0], $0xffff;
	[tilespmem:s1+$0x40] =	vst v24  }
0xd4: {  	v15 =	vmov v21;
	v22 =	vld.idx.msk [tilespmem:v22+s26+$0x0], $0xffff;
	[tilespmem:s24+$0x50] =	vst v19;
	v19 =	vadd.s32 v7, v14;
	v14 =	vmov v20  }
0xd5: {  	v21 =	vadd.s32 v2, v8;
	[tilespmem:s9+$0x10] =	vst v16;
	v20 =	vld.idx.msk [tilespmem:v23+s26+$0x0], $0xffff  }
0xd6: {  	v23 =	vadd.s32 v6, v9;
	[tilespmem:s25+$0x10] =	vst v25;
	v16 =	vld.idx.msk [tilespmem:v29+s26+$0x0], $0xffff  }
0xd7: {  	v25 =	vadd.s32 v6, v12;
	v24 =	vld.idx.msk [tilespmem:v28+s26+$0x0], $0xffff;
	[tilespmem:s23+$0x10] =	vst v27  }
0xd8: {  	s10 =	sadd.s32 $0x1, s8;
	v28 =	vadd.s32 v3, v14;
	v27 =	vld.idx.msk [tilespmem:v31+s26+$0x0], $0xffff;
	[tilespmem:s2+$0x60] =	vst v30  }
0xd9: {  	v29 =	vmov s10;
	v30 =	vadd.s32 v3, v13;
	[tilespmem:s22+$0x10] =	vst v26;
	v31 =	vld.idx.msk [tilespmem:v19+s26+$0x0], $0xffff  }
0xda: {  	v33 =	vadd.s32 v3, v18;
	v29 =	vand.u32 $0x3D, v29;
	v32 =	vld.idx.msk [tilespmem:v21+s26+$0x0], $0xffff;
	[tilespmem:s31+$0x50] =	vst v17  }
0xdb: {  	v34 =	vadd.s32 v0, v29;
	[tilespmem:s1+$0x50] =	vst v22;
	v22 =	vld.idx.msk [tilespmem:v23+s26+$0x0], $0xffff  }
.Ltmp3:
0xdc: {  	v19 =	vadd.s32 v3, v8;
	[tilespmem:s9+$0x20] =	vst v16;
	v21 =	vld.idx.msk [tilespmem:v25+s26+$0x0], $0xffff;
	(pc) =	sbr.rel @p2 .LBB2_5-.Ltmp3, $4  }
0xdd: {  	v26 =	vadd.s32 v7, v11;
	v11 =	vmov v13;
	v13 =	vmov v29;
	[tilespmem:s25+$0x20] =	vst v24;
	v24 =	vld.idx.msk [tilespmem:v28+s26+$0x0], $0xffff  }
0xde: {  	v23 =	vadd.s32 v7, v9;
	v9 =	vmov v18;
	v25 =	vld.idx.msk [tilespmem:v30+s26+$0x0], $0xffff;
	[tilespmem:s23+$0x20] =	vst v27  }
0xdf: {  	v27 =	vadd.s32 v4, v14;
	v17 =	vld.idx.msk [tilespmem:v33+s26+$0x0], $0xffff;
	[tilespmem:s2+$0x70] =	vst v31;
	s2 =	smov.u32 s9  }
0xe0: {  	s8 =	sadd.s32 $0x4, s8;
	v28 =	vadd.s32 v4, v11;
	s9 =	sadd.s32 $0x3, s7;
	v16 =	vld.idx.msk [tilespmem:v34+s26+$0x0], $0xffff;
	[tilespmem:s22+$0x20] =	vst v32  }
0xe1: {  	_ =	sdelay $0x1  }
0xe2: {  	[tilespmem:s24+$0x60] =	vst v20  }
0xe3: {  	v37 =	vmov s9;
	s7 =	sadd.s32 $0x2, s7;
	[tilespmem:s31+$0x60] =	vst v22;
	s6 =	sadd.s32 $0x200, s6  }
0xe4: {  	[tilespmem:s1+$0x60] =	vst v21;
	v19 =	vld.idx.msk [tilespmem:v19+s26+$0x0], $0xffff;
	v18 =	vand.u32 $0x3F, v37;
	v41 =	vmov s7;
	s12 =	sadd.s32 $0xFFFFFE80, s6  }
0xe5: {  	v35 =	vadd.s32 v7, v12;
	[tilespmem:s2+$0x30] =	vst v24;
	v26 =	vld.idx.msk [tilespmem:v26+s26+$0x0], $0xffff;
	s13 =	sadd.s32 $0xFFFFFF00, s6;
	v42 =	vadd.s32 v0, v18;
	v12 =	vand.u32 $0x3E, v41;
	s8 =	sand.u32 $0x1C00, s12  }
0xe6: {  	v23 =	vld.idx.msk [tilespmem:v23+s26+$0x0], $0xffff;
	[tilespmem:s25+$0x30] =	vst v25;
	s10 =	sand.u32 $0x280, s13;
	v43 =	vadd.s32 v0, v12;
	s8 =	sadd.s32 $0xAC00, s8  }
0xe7: {  	v36 =	vld.idx.msk [tilespmem:v27+s26+$0x0], $0xffff;
	[tilespmem:s23+$0x30] =	vst v17;
	s11 =	sor.u32 s10, s8  }
0xe8: {  	v47 =	vadd.s32 v1, v13;
	v38 =	vld.idx.msk [tilespmem:v28+s26+$0x0], $0xffff;
	[tilespmem:s11+$0x0] =	vst v16  }
0xe9: {  	v40 =	vadd.s32 v5, v11;
	[tilespmem:s22+$0x30] =	vst v19  }
0xea: {  	v39 =	vadd.s32 v5, v14;
	[tilespmem:s24+$0x70] =	vst v26;
	v22 =	vld.idx.msk [tilespmem:v42+s26+$0x0], $0xffff  }
0xeb: {  	v46 =	vadd.s32 v1, v18;
	[tilespmem:s31+$0x70] =	vst v23;
	s24 =	sand.u32 $0x380, s6;
	s6 =	sadd.s32 $0xFFFFFF80, s6;
	v21 =	vld.idx.msk [tilespmem:v43+s26+$0x0], $0xffff  }
0xec: {  	s12 =	sand.u32 $0x200, s12;
	v48 =	vadd.s32 v1, v12;
	v24 =	vld.idx.msk [tilespmem:v35+s26+$0x0], $0xffff;
	[tilespmem:s2+$0x40] =	vst v36;
	s6 =	sand.u32 $0x300, s6  }
0xed: {  	v49 =	vadd.s32 v1, v10;
	v53 =	vld.idx.msk [tilespmem:v47+s26+$0x0], $0xffff;
	s31 =	sor.u32 s24, s8;
	[tilespmem:s25+$0x40] =	vst v38;
	s13 =	sor.u32 s6, s8;
	s8 =	sor.u32 s12, s8  }
0xee: {  	v56 =	vadd.s32 v2, v13;
	v20 =	vld.idx.msk [tilespmem:v40+s26+$0x0], $0xffff;
	[tilespmem:s8+$0x0] =	vst v15  }
0xef: {  	v45 =	vadd.s32 v6, v11;
	v25 =	vld.idx.msk [tilespmem:v39+s26+$0x0], $0xffff;
	[tilespmem:s31+$0x0] =	vst v22  }
0xf0: {  	v44 =	vadd.s32 v6, v14;
	v51 =	vld.idx.msk [tilespmem:v46+s26+$0x0], $0xffff;
	[tilespmem:s13+$0x0] =	vst v21  }
0xf1: {  	v54 =	vadd.s32 v2, v18;
	[tilespmem:s1+$0x70] =	vst v24;
	v55 =	vld.idx.msk [tilespmem:v48+s26+$0x0], $0xffff  }
0xf2: {  	v58 =	vadd.s32 v2, v12;
	v57 =	vld.idx.msk [tilespmem:v49+s26+$0x0], $0xffff;
	[tilespmem:s11+$0x10] =	vst v53  }
0xf3: {  	v59 =	vadd.s32 v2, v10;
	v15 =	vld.idx.msk [tilespmem:v56+s26+$0x0], $0xffff;
	[tilespmem:s25+$0x50] =	vst v20  }
0xf4: {  	v62 =	vadd.s32 v3, v13;
	[tilespmem:s2+$0x50] =	vst v25;
	v20 =	vld.idx.msk [tilespmem:v45+s26+$0x0], $0xffff  }
0xf5: {  	v52 =	vadd.s32 v7, v11;
	v27 =	vld.idx.msk [tilespmem:v44+s26+$0x0], $0xffff;
	[tilespmem:s31+$0x10] =	vst v51  }
0xf6: {  	v50 =	vadd.s32 v7, v14;
	v16 =	vld.idx.msk [tilespmem:v54+s26+$0x0], $0xffff;
	[tilespmem:s13+$0x10] =	vst v55  }
0xf7: {  	v60 =	vadd.s32 v3, v18;
	[tilespmem:s8+$0x10] =	vst v57;
	v61 =	vld.idx.msk [tilespmem:v58+s26+$0x0], $0xffff  }
0xf8: {  	v28 =	vadd.s32 v3, v12;
	v63 =	vld.idx.msk [tilespmem:v59+s26+$0x0], $0xffff;
	[tilespmem:s11+$0x20] =	vst v15  }
0xf9: {  	v30 =	vadd.s32 v4, v9;
	v33 =	vld.idx.msk [tilespmem:v62+s26+$0x0], $0xffff;
	[tilespmem:s25+$0x60] =	vst v20  }
0xfa: {  	v29 =	vadd.s32 v3, v10;
	[tilespmem:s2+$0x60] =	vst v27;
	v11 =	vld.idx.msk [tilespmem:v52+s26+$0x0], $0xffff  }
0xfb: {  	v31 =	vadd.s32 v4, v8;
	v14 =	vld.idx.msk [tilespmem:v50+s26+$0x0], $0xffff;
	[tilespmem:s31+$0x20] =	vst v16  }
0xfc: {  	v36 =	vadd.s32 v4, v13;
	v32 =	vld.idx.msk [tilespmem:v60+s26+$0x0], $0xffff;
	[tilespmem:s13+$0x20] =	vst v61  }
0xfd: {  	v34 =	vadd.s32 v4, v18;
	[tilespmem:s8+$0x20] =	vst v63;
	v35 =	vld.idx.msk [tilespmem:v28+s26+$0x0], $0xffff  }
0xfe: {  	v37 =	vadd.s32 v4, v12;
	v38 =	vld.idx.msk [tilespmem:v30+s26+$0x0], $0xffff;
	[tilespmem:s11+$0x30] =	vst v33  }
0xff: {  	v40 =	vadd.s32 v5, v9;
	[tilespmem:s25+$0x70] =	vst v11;
	v11 =	vld.idx.msk [tilespmem:v29+s26+$0x0], $0xffff  }
0x100: {  	v39 =	vadd.s32 v4, v10;
	v16 =	vld.idx.msk [tilespmem:v31+s26+$0x0], $0xffff;
	[tilespmem:s2+$0x70] =	vst v14  }
0x101: {  	v41 =	vadd.s32 v5, v8;
	v14 =	vld.idx.msk [tilespmem:v36+s26+$0x0], $0xffff;
	[tilespmem:s31+$0x30] =	vst v32  }
0x102: {  	v44 =	vadd.s32 v5, v13;
	v42 =	vld.idx.msk [tilespmem:v34+s26+$0x0], $0xffff;
	[tilespmem:s13+$0x30] =	vst v35  }
0x103: {  	v43 =	vadd.s32 v5, v18;
	[tilespmem:s23+$0x40] =	vst v38;
	v17 =	vld.idx.msk [tilespmem:v37+s26+$0x0], $0xffff  }
0x104: {  	v23 =	vld.idx.msk [tilespmem:v40+s26+$0x0], $0xffff;
	v45 =	vadd.s32 v5, v12;
	[tilespmem:s8+$0x30] =	vst v11  }
0x105: {  	v47 =	vadd.s32 v6, v9;
	[tilespmem:s22+$0x40] =	vst v16;
	v19 =	vld.idx.msk [tilespmem:v39+s26+$0x0], $0xffff  }
0x106: {  	v46 =	vadd.s32 v5, v10;
	v15 =	vld.idx.msk [tilespmem:v41+s26+$0x0], $0xffff;
	[tilespmem:s11+$0x40] =	vst v14  }
0x107: {  	v48 =	vadd.s32 v6, v8;
	v11 =	vld.idx.msk [tilespmem:v44+s26+$0x0], $0xffff;
	[tilespmem:s31+$0x40] =	vst v42  }
0x108: {  	v52 =	vadd.s32 v6, v13;
	v49 =	vld.idx.msk [tilespmem:v43+s26+$0x0], $0xffff;
	[tilespmem:s13+$0x40] =	vst v17  }
0x109: {  	[tilespmem:s23+$0x50] =	vst v23;
	v50 =	vadd.s32 v6, v18;
	v51 =	vld.idx.msk [tilespmem:v45+s26+$0x0], $0xffff  }
0x10a: {  	v53 =	vadd.s32 v6, v12;
	v54 =	vld.idx.msk [tilespmem:v47+s26+$0x0], $0xffff;
	[tilespmem:s8+$0x40] =	vst v19  }
0x10b: {  	v56 =	vadd.s32 v7, v9;
	[tilespmem:s22+$0x50] =	vst v15;
	v16 =	vld.idx.msk [tilespmem:v46+s26+$0x0], $0xffff  }
0x10c: {  	v55 =	vadd.s32 v6, v10;
	v20 =	vld.idx.msk [tilespmem:v48+s26+$0x0], $0xffff;
	[tilespmem:s11+$0x50] =	vst v11  }
0x10d: {  	v8 =	vadd.s32 v7, v8;
	v58 =	vld.idx.msk [tilespmem:v52+s26+$0x0], $0xffff;
	[tilespmem:s31+$0x50] =	vst v49  }
0x10e: {  	v60 =	vadd.s32 v7, v13;
	v14 =	vld.idx.msk [tilespmem:v50+s26+$0x0], $0xffff;
	[tilespmem:s13+$0x50] =	vst v51  }
0x10f: {  	v57 =	vadd.s32 v7, v18;
	[tilespmem:s23+$0x60] =	vst v54;
	v59 =	vld.idx.msk [tilespmem:v53+s26+$0x0], $0xffff  }
0x110: {  	v12 =	vadd.s32 v7, v12;
	v9 =	vld.idx.msk [tilespmem:v56+s26+$0x0], $0xffff;
	[tilespmem:s8+$0x50] =	vst v16  }
0x111: {  	[tilespmem:s22+$0x60] =	vst v20;
	v61 =	vld.idx.msk [tilespmem:v55+s26+$0x0], $0xffff  }
0x112: {  	v62 =	vadd.s32 v7, v10;
	v8 =	vld.idx.msk [tilespmem:v8+s26+$0x0], $0xffff;
	[tilespmem:s11+$0x60] =	vst v58  }
0x113: {  	v13 =	vld.idx.msk [tilespmem:v60+s26+$0x0], $0xffff;
	[tilespmem:s31+$0x60] =	vst v14  }
0x114: {  	v11 =	vld.idx.msk [tilespmem:v57+s26+$0x0], $0xffff;
	[tilespmem:s13+$0x60] =	vst v59  }
0x115: {  	[tilespmem:s23+$0x70] =	vst v9;
	v12 =	vld.idx.msk [tilespmem:v12+s26+$0x0], $0xffff  }
0x116: {  	[tilespmem:s8+$0x60] =	vst v61  }
0x117: {  	[tilespmem:s22+$0x70] =	vst v8;
	v63 =	vld.idx.msk [tilespmem:v62+s26+$0x0], $0xffff  }
0x118: {  	[tilespmem:s11+$0x70] =	vst v13  }
0x119: {  	[tilespmem:s31+$0x70] =	vst v11  }
0x11a: {  	[tilespmem:s13+$0x70] =	vst v12  }
0x11b: {  	s22 =	sshll.u32 s4, $0x10;
	s2 =	rddreg [dreg:$0x6]  }
0x11c: {  	s23 =	rddreg [dreg:$0x1];
	[tilespmem:s8+$0x70] =	vst v63;
	s22 =	sor.u32 s2, s22  }
0x11d: {  	s24 =	simm.s32 $0xAC00;
	s25 =	rddreg [dreg:$0x7];
	s1 =	sadd.s32 s23, s22  }
0x11e: {  	[hbm4b:s1+s3] =	stream.linear.scatter [tilespmem:s24], [sflag:$0x3], $0x400, $0x38;
	[tilespmem:$0x11000] =	vst v63  }
0x11f: {  	s31 =	simm.s32 $0xB000;
	s6 =	rddreg [dreg:$0x8];
	s1 =	sadd.s32 s22, s25  }
0x120: {  	[hbm4b:s1+s3] =	stream.linear.scatter [tilespmem:s31], [sflag:$0x3], $0x400, $0x38;
	[tilespmem:$0x11000] =	vst v63  }
0x121: {  	s7 =	simm.s32 $0xB400;
	s8 =	rddreg [dreg:$0x9];
	s1 =	sadd.s32 s22, s6  }
0x122: {  	[hbm4b:s1+s3] =	stream.linear.scatter [tilespmem:s7], [sflag:$0x3], $0x400, $0x38;
	[tilespmem:$0x11000] =	vst v63  }
0x123: {  	s9 =	simm.s32 $0xB800;
	s10 =	rddreg [dreg:$0xa];
	s1 =	sadd.s32 s22, s8  }
0x124: {  	[hbm4b:s1+s3] =	stream.linear.scatter [tilespmem:s9], [sflag:$0x3], $0x400, $0x38;
	[tilespmem:$0x11000] =	vst v63  }
0x125: {  	s11 =	simm.s32 $0xBC00;
	s12 =	rddreg [dreg:$0xb];
	s1 =	sadd.s32 s22, s10  }
0x126: {  	[hbm4b:s1+s3] =	stream.linear.scatter [tilespmem:s11], [sflag:$0x3], $0x400, $0x38;
	[tilespmem:$0x11000] =	vst v63  }
0x127: {  	p2 =	sne.s32 s4, $0x63;
	s13 =	simm.s32 $0xC000;
	s1 =	sadd.s32 s22, s12  }
0x128: {  	[hbm4b:s1+s3] =	stream.linear.scatter [tilespmem:s13], [sflag:$0x3], $0x400, $0x38;
	[tilespmem:$0x11000] =	vst v63  }
.Ltmp4:
0x129: {  	s23 =	rddreg [dreg:$0xc];
	(pc) =	sbr.rel @p2 .LBB2_8-.Ltmp4, $4  }
0x12a: {  	s24 =	simm.s32 $0xC400;
	s25 =	rddreg [dreg:$0xd];
	s1 =	sadd.s32 s22, s23  }
0x12b: {  	[hbm4b:s1+s3] =	stream.linear.scatter [tilespmem:s24], [sflag:$0x3], $0x400, $0x38;
	[tilespmem:$0x11000] =	vst v63  }
0x12c: {  	s31 =	simm.s32 $0xC800;
	s1 =	sadd.s32 s22, s25  }
0x12d: {  	[hbm4b:s1+s3] =	stream.linear.scatter [tilespmem:s31], [sflag:$0x3], $0x400, $0x38;
	[tilespmem:$0x11000] =	vst v63  }
.Ltmp5:
0x12e: {  	(pc) =	sbr.rel .LBB2_9-.Ltmp5, $4  }
0x12f: {  	_ = 	snop  }
0x130: {  	_ =	swait.ge [sflag:s0], $0x2400  }
0x131: {  	[sflag:s0] =	ssyncset.done $0x0  }
0x132: {  	[sflag:s0] =	ssyncadd.s32 $0xFFFFDC00  }
.LBB2_8:
0x133: {  	s1 =	sshrl.u32 s5, $0x2;
	s2 =	rddreg [dreg:$0x2]  }
.Ltmp6:
0x134: {  	s6 =	simm.s32 $0x80;
	s1 =	sadd.s32 $0x100, s1;
	(pc) =	sbr.rel @p1 .LBB2_10-.Ltmp6, $4  }
0x135: {  	[tilespmem:s26], [sflag:$0x1] =	stream.indirect.gather [spmem:s2], $0x48, s1, s6, $0xb8;
	[tilespmem:$0x11000] =	vst v63  }
0x136: {  	_ =	swait.ge [sflag:s0], $0x2400  }
0x137: {  	[sflag:s0] =	ssyncset.done $0x0  }
0x138: {  	[sflag:s0] =	ssyncadd.s32 $0xFFFFDC00  }
.LBB2_9:
0x139: {  	_ =	swait.ge [sflag:s30], $0x400  }
0x13a: {  	[sflag:s30] =	ssyncset.done $0x0  }
0x13b: {  	[sflag:s30] =	ssyncadd.s32 $0xFFFFFC00  }
0x13c: {  	_ =	swait.ge [sflag:s30], $0x400  }
0x13d: {  	[sflag:s30] =	ssyncset.done $0x0  }
0x13e: {  	[sflag:s30] =	ssyncadd.s32 $0xFFFFFC00  }
0x13f: {  	_ =	swait.ge [sflag:s30], $0x400  }
0x140: {  	[sflag:s30] =	ssyncset.done $0x0  }
0x141: {  	[sflag:s30] =	ssyncadd.s32 $0xFFFFFC00  }
0x142: {  	_ =	swait.ge [sflag:s30], $0x400  }
0x143: {  	[sflag:s30] =	ssyncset.done $0x0  }
0x144: {  	[sflag:s30] =	ssyncadd.s32 $0xFFFFFC00  }
0x145: {  	_ =	swait.ge [sflag:s30], $0x400  }
0x146: {  	[sflag:s30] =	ssyncset.done $0x0  }
0x147: {  	[sflag:s30] =	ssyncadd.s32 $0xFFFFFC00  }
0x148: {  	_ =	swait.ge [sflag:s30], $0x400  }
0x149: {  	[sflag:s30] =	ssyncset.done $0x0  }
0x14a: {  	[sflag:s30] =	ssyncadd.s32 $0xFFFFFC00  }
0x14b: {  	_ =	swait.ge [sflag:s30], $0x400  }
0x14c: {  	[sflag:s30] =	ssyncset.done $0x0  }
0x14d: {  	[sflag:s30] =	ssyncadd.s32 $0xFFFFFC00  }
0x14e: {  	_ =	swait.ge [sflag:s30], $0x400  }
0x14f: {  	[sflag:s30] =	ssyncset.done $0x0  }
0x150: {  	[sflag:s30] =	ssyncadd.s32 $0xFFFFFC00  }
.LBB2_10:
0x151: {  	s1 =	simm.s32 $0x3  }
0x152: {  	s2 =	simm.s32 $0x1;
	v8 =	vmov s1  }
0x153: {  	s23 =	simm.s32 $0x2;
	v9 =	vmov s2;
	v13 =	vand.u32 $0x3F, v8  }
0x154: {  	v16 =	vand.u32 $0x3D, v9;
	v8 =	vmov s23;
	v9 =	vadd.s32 v0, v13  }
0x155: {  	s24 =	simm.s32 $0x0;
	v10 =	vadd.s32 v0, v16;
	v17 =	vand.u32 $0x3E, v8  }
0x156: {  	v8 =	vmov s24;
	v11 =	vadd.s32 v0, v17  }
0x157: {  	v12 =	vand.u32 $0x3C, v8  }
0x158: {  	v8 =	vadd.s32 v0, v12  }
0x159: {  	v9 =	vld.idx.msk [tilespmem:v9+s28+$0x0], $0xffff  }
0x15a: {  	s25 =	simm.s32 $0x0;
	v14 =	vadd.s32 v1, v13;
	v10 =	vld.idx.msk [tilespmem:v10+s28+$0x0], $0xffff  }
0x15b: {  	s9 =	simm.s32 $0x180;
	s6 =	sand.u32 $0x1C00, s25;
	v15 =	vadd.s32 v1, v16;
	v11 =	vld.idx.msk [tilespmem:v11+s28+$0x0], $0xffff  }
0x15c: {  	s7 =	simm.s32 $0x80;
	s1 =	sand.u32 $0x380, s9;
	s6 =	sadd.s32 $0xCC00, s6;
	v18 =	vadd.s32 v1, v17  }
0x15d: {  	s8 =	simm.s32 $0x100;
	s7 =	sand.u32 $0x280, s7;
	s9 =	sor.u32 s1, s6;
	v8 =	vld.idx.msk [tilespmem:v8+s28+$0x0], $0xffff  }
0x15e: {  	s10 =	sand.u32 $0x300, s8;
	s31 =	sor.u32 s7, s6;
	v19 =	vadd.s32 v1, v12;
	[tilespmem:s9+$0x0] =	vst v9  }
0x15f: {  	s1 =	sor.u32 s10, s6;
	[tilespmem:s31+$0x0] =	vst v10;
	v9 =	vld.idx.msk [tilespmem:v14+s28+$0x0], $0xffff  }
0x160: {  	s2 =	sand.u32 $0x200, s25;
	v10 =	vld.idx.msk [tilespmem:v15+s28+$0x0], $0xffff;
	[tilespmem:s1+$0x0] =	vst v11;
	v11 =	vadd.s32 v2, v13  }
0x161: {  	s2 =	sor.u32 s2, s6;
	v15 =	vadd.s32 v2, v16;
	v14 =	vld.idx.msk [tilespmem:v18+s28+$0x0], $0xffff  }
0x162: {  	[tilespmem:s2+$0x0] =	vst v8;
	v8 =	vadd.s32 v2, v17  }
0x163: {  	v18 =	vld.idx.msk [tilespmem:v19+s28+$0x0], $0xffff  }
0x164: {  	v19 =	vadd.s32 v2, v12;
	[tilespmem:s9+$0x10] =	vst v9  }
0x165: {  	[tilespmem:s31+$0x10] =	vst v10;
	v9 =	vld.idx.msk [tilespmem:v11+s28+$0x0], $0xffff  }
0x166: {  	s11 =	simm.s32 $0x4;
	v10 =	vld.idx.msk [tilespmem:v15+s28+$0x0], $0xffff;
	[tilespmem:s1+$0x10] =	vst v14;
	v14 =	vadd.s32 v3, v13  }
0x167: {  	v20 =	vadd.s32 v3, v16;
	v11 =	vmov s11;
	v15 =	vld.idx.msk [tilespmem:v8+s28+$0x0], $0xffff  }
0x168: {  	s12 =	simm.s32 $0x5;
	v8 =	vand.u32 $0x3C, v11;
	[tilespmem:s2+$0x10] =	vst v18;
	v18 =	vadd.s32 v3, v17  }
0x169: {  	v11 =	vmov s12;
	v21 =	vadd.s32 v0, v8;
	v19 =	vld.idx.msk [tilespmem:v19+s28+$0x0], $0xffff  }
0x16a: {  	v22 =	vadd.s32 v3, v12;
	v11 =	vand.u32 $0x3D, v11;
	[tilespmem:s9+$0x20] =	vst v9  }
0x16b: {  	v9 =	vadd.s32 v0, v11;
	[tilespmem:s31+$0x20] =	vst v10;
	v10 =	vld.idx.msk [tilespmem:v14+s28+$0x0], $0xffff  }
0x16c: {  	s13 =	simm.s32 $0x7;
	v20 =	vld.idx.msk [tilespmem:v20+s28+$0x0], $0xffff;
	[tilespmem:s1+$0x20] =	vst v15;
	v15 =	vadd.s32 v4, v13  }
0x16d: {  	v23 =	vadd.s32 v4, v16;
	v14 =	vmov s13;
	v18 =	vld.idx.msk [tilespmem:v18+s28+$0x0], $0xffff  }
0x16e: {  	s23 =	simm.s32 $0x6;
	v21 =	vld.idx.msk [tilespmem:v21+s28+$0x0], $0xffff;
	[tilespmem:s2+$0x20] =	vst v19;
	v19 =	vadd.s32 v4, v17;
	v14 =	vand.u32 $0x3F, v14  }
0x16f: {  	v24 =	vmov s23;
	v22 =	vld.idx.msk [tilespmem:v22+s28+$0x0], $0xffff;
	v25 =	vadd.s32 v0, v14  }
0x170: {  	v26 =	vld.idx.msk [tilespmem:v9+s28+$0x0], $0xffff;
	v9 =	vand.u32 $0x3E, v24;
	v24 =	vadd.s32 v4, v12;
	[tilespmem:s9+$0x30] =	vst v10  }
0x171: {  	[tilespmem:s31+$0x30] =	vst v20;
	v20 =	vadd.s32 v0, v9;
	v15 =	vld.idx.msk [tilespmem:v15+s28+$0x0], $0xffff  }
0x172: {  	s8 =	simm.s32 $0x8;
	v23 =	vld.idx.msk [tilespmem:v23+s28+$0x0], $0xffff;
	[tilespmem:s1+$0x30] =	vst v18;
	v18 =	vadd.s32 v5, v13  }
0x173: {  	v27 =	vadd.s32 v5, v16;
	v10 =	vmov s8;
	v19 =	vld.idx.msk [tilespmem:v19+s28+$0x0], $0xffff  }
0x174: {  	v10 =	vand.u32 $0x3C, v10;
	[tilespmem:s2+$0x30] =	vst v22;
	v22 =	vld.idx.msk [tilespmem:v25+s28+$0x0], $0xffff;
	v25 =	vadd.s32 v5, v17  }
0x175: {  	s10 =	simm.s32 $0x200;
	s7 =	simm.s32 $0x380;
	v28 =	vadd.s32 v0, v10;
	v24 =	vld.idx.msk [tilespmem:v24+s28+$0x0], $0xffff  }
0x176: {  	s23 =	simm.s32 $0x300;
	s24 =	sand.u32 $0x1C00, s10;
	s25 =	sand.u32 $0x380, s7;
	v29 =	vadd.s32 v1, v14;
	v20 =	vld.idx.msk [tilespmem:v20+s28+$0x0], $0xffff;
	[tilespmem:s9+$0x40] =	vst v15  }
0x177: {  	s23 =	sand.u32 $0x300, s23;
	s10 =	sand.u32 $0x200, s10;
	s12 =	sadd.s32 $0xCC00, s24;
	v30 =	vadd.s32 v1, v11;
	[tilespmem:s31+$0x40] =	vst v23;
	v18 =	vld.idx.msk [tilespmem:v18+s28+$0x0], $0xffff  }
0x178: {  	s11 =	simm.s32 $0x280;
	s24 =	sor.u32 s23, s12;
	s23 =	sor.u32 s10, s12;
	v23 =	vadd.s32 v1, v9;
	v27 =	vld.idx.msk [tilespmem:v27+s28+$0x0], $0xffff;
	[tilespmem:s1+$0x40] =	vst v19  }
0x179: {  	s11 =	sand.u32 $0x280, s11;
	s25 =	sor.u32 s25, s12;
	[tilespmem:s23+$0x0] =	vst v21;
	v19 =	vld.idx.msk [tilespmem:v25+s28+$0x0], $0xffff;
	v25 =	vadd.s32 v6, v13  }
0x17a: {  	s6 =	sor.u32 s11, s12;
	v15 =	vld.idx.msk [tilespmem:v28+s28+$0x0], $0xffff;
	v28 =	vadd.s32 v1, v8;
	[tilespmem:s25+$0x0] =	vst v22  }
0x17b: {  	[tilespmem:s6+$0x0] =	vst v26;
	v26 =	vadd.s32 v5, v12;
	v22 =	vld.idx.msk [tilespmem:v29+s28+$0x0], $0xffff  }
0x17c: {  	v29 =	vld.idx.msk [tilespmem:v30+s28+$0x0], $0xffff;
	v30 =	vadd.s32 v2, v14;
	[tilespmem:s24+$0x0] =	vst v20  }
0x17d: {  	v20 =	vadd.s32 v6, v16;
	v23 =	vld.idx.msk [tilespmem:v23+s28+$0x0], $0xffff;
	[tilespmem:s9+$0x50] =	vst v18  }
0x17e: {  	[tilespmem:s2+$0x40] =	vst v24;
	v18 =	vadd.s32 v2, v11;
	v21 =	vld.idx.msk [tilespmem:v25+s28+$0x0], $0xffff  }
0x17f: {  	[tilespmem:s31+$0x50] =	vst v27;
	v25 =	vld.idx.msk [tilespmem:v28+s28+$0x0], $0xffff;
	v28 =	vadd.s32 v2, v9  }
0x180: {  	v24 =	vld.idx.msk [tilespmem:v26+s28+$0x0], $0xffff;
	[tilespmem:s25+$0x10] =	vst v22;
	v22 =	vadd.s32 v6, v17  }
0x181: {  	v13 =	vadd.s32 v7, v13;
	[tilespmem:s6+$0x10] =	vst v29;
	v27 =	vld.idx.msk [tilespmem:v30+s28+$0x0], $0xffff  }
0x182: {  	v26 =	vadd.s32 v2, v8;
	[tilespmem:s1+$0x50] =	vst v19;
	v20 =	vld.idx.msk [tilespmem:v20+s28+$0x0], $0xffff  }
0x183: {  	v29 =	vadd.s32 v3, v14;
	[tilespmem:s24+$0x10] =	vst v23;
	v18 =	vld.idx.msk [tilespmem:v18+s28+$0x0], $0xffff  }
0x184: {  	s13 =	simm.s32 $0x9;
	v23 =	vadd.s32 v6, v12;
	v28 =	vld.idx.msk [tilespmem:v28+s28+$0x0], $0xffff;
	[tilespmem:s9+$0x60] =	vst v21  }
0x185: {  	v21 =	vmov s13;
	[tilespmem:s23+$0x10] =	vst v25;
	v25 =	vadd.s32 v3, v11;
	v22 =	vld.idx.msk [tilespmem:v22+s28+$0x0], $0xffff  }
0x186: {  	v32 =	vadd.s32 v3, v9;
	v30 =	vld.idx.msk [tilespmem:v13+s28+$0x0], $0xffff;
	v13 =	vand.u32 $0x3D, v21  }
0x187: {  	v31 =	vld.idx.msk [tilespmem:v26+s28+$0x0], $0xffff;
	[tilespmem:s25+$0x20] =	vst v27;
	v33 =	vadd.s32 v0, v13  }
0x188: {  	v19 =	vadd.s32 v3, v8;
	[tilespmem:s2+$0x50] =	vst v24;
	v24 =	vld.idx.msk [tilespmem:v29+s28+$0x0], $0xffff  }
0x189: {  	v26 =	vadd.s32 v7, v16;
	v21 =	vld.idx.msk [tilespmem:v23+s28+$0x0], $0xffff;
	[tilespmem:s6+$0x20] =	vst v18  }
0x18a: {  	v23 =	vadd.s32 v7, v17;
	v25 =	vld.idx.msk [tilespmem:v25+s28+$0x0], $0xffff;
	[tilespmem:s24+$0x20] =	vst v28  }
0x18b: {  	v27 =	vadd.s32 v4, v14;
	v17 =	vld.idx.msk [tilespmem:v32+s28+$0x0], $0xffff;
	[tilespmem:s9+$0x70] =	vst v30  }
0x18c: {  	s10 =	simm.s32 $0xB;
	v28 =	vadd.s32 v4, v11;
	s9 =	simm.s32 $0xC;
	[tilespmem:s23+$0x20] =	vst v31;
	v16 =	vld.idx.msk [tilespmem:v33+s28+$0x0], $0xffff  }
.LBB2_11:
0x18d: {  	p1 =	slt.u32 s9, $0x3C;
	v18 =	vmov s10;
	v19 =	vld.idx.msk [tilespmem:v19+s28+$0x0], $0xffff;
	v29 =	vadd.s32 v4, v9;
	[tilespmem:s31+$0x60] =	vst v20  }
0x18e: {  	s10 =	sadd.s32 $0x2, s8;
	v30 =	vadd.s32 v7, v12;
	v12 =	vmovc v8;
	v8 =	vmov v10;
	s8 =	smov.u32 s9;
	v20 =	vand.u32 $0x3F, v18;
	v26 =	vld.idx.msk [tilespmem:v26+s28+$0x0], $0xffff;
	[tilespmem:s1+$0x60] =	vst v22  }
0x18f: {  	v10 =	vmov s10;
	v22 =	vadd.s32 v0, v20;
	[tilespmem:s25+$0x30] =	vst v24;
	v23 =	vld.idx.msk [tilespmem:v23+s28+$0x0], $0xffff  }
0x190: {  	v18 =	vand.u32 $0x3E, v10;
	v24 =	vadd.s32 v4, v12;
	[tilespmem:s6+$0x30] =	vst v25;
	v25 =	vld.idx.msk [tilespmem:v27+s28+$0x0], $0xffff  }
0x191: {  	v27 =	vadd.s32 v0, v18;
	v28 =	vld.idx.msk [tilespmem:v28+s28+$0x0], $0xffff;
	[tilespmem:s24+$0x30] =	vst v17  }
0x192: {  	v17 =	vld.idx.msk [tilespmem:v29+s28+$0x0], $0xffff;
	v29 =	vadd.s32 v5, v14;
	[tilespmem:s2+$0x60] =	vst v21  }
0x193: {  	v10 =	vmov s9;
	[tilespmem:s23+$0x30] =	vst v19;
	v19 =	vadd.s32 v5, v11;
	v21 =	vld.idx.msk [tilespmem:v30+s28+$0x0], $0xffff  }
0x194: {  	v10 =	vand.u32 $0x3C, v10;
	v30 =	vadd.s32 v5, v9;
	v22 =	vld.idx.msk [tilespmem:v22+s28+$0x0], $0xffff;
	[tilespmem:s31+$0x70] =	vst v26;
	s31 =	smov.u32 s6  }
0x195: {  	s7 =	sadd.s32 $0x200, s7;
	v26 =	vadd.s32 v0, v10;
	v24 =	vld.idx.msk [tilespmem:v24+s28+$0x0], $0xffff;
	[tilespmem:s1+$0x70] =	vst v23;
	s1 =	smov.u32 s24  }
0x196: {  	s10 =	sadd.s32 $0xFFFFFF00, s7;
	s11 =	sadd.s32 $0xFFFFFF80, s7;
	s6 =	sadd.s32 $0xFFFFFE80, s7;
	v23 =	vld.idx.msk [tilespmem:v27+s28+$0x0], $0xffff;
	v27 =	vadd.s32 v1, v20;
	[tilespmem:s25+$0x40] =	vst v25  }
0x197: {  	s10 =	sand.u32 $0x280, s10;
	s12 =	sand.u32 $0x200, s6;
	s6 =	sand.u32 $0x1C00, s6;
	v25 =	vadd.s32 v1, v13;
	[tilespmem:s31+$0x40] =	vst v28;
	v28 =	vld.idx.msk [tilespmem:v29+s28+$0x0], $0xffff  }
0x198: {  	s13 =	sand.u32 $0x380, s7;
	s11 =	sand.u32 $0x300, s11;
	s24 =	sadd.s32 $0xCC00, s6;
	v29 =	vadd.s32 v1, v18;
	v19 =	vld.idx.msk [tilespmem:v19+s28+$0x0], $0xffff;
	[tilespmem:s1+$0x40] =	vst v17  }
0x199: {  	s12 =	sor.u32 s12, s24;
	s6 =	sor.u32 s10, s24;
	s10 =	sor.u32 s13, s24;
	v17 =	vld.idx.msk [tilespmem:v30+s28+$0x0], $0xffff;
	v30 =	vadd.s32 v6, v14;
	[tilespmem:s2+$0x70] =	vst v21  }
0x19a: {  	s24 =	sor.u32 s11, s24;
	s2 =	smov.u32 s23;
	s23 =	smov.u32 s12;
	v21 =	vld.idx.msk [tilespmem:v26+s28+$0x0], $0xffff;
	v26 =	vadd.s32 v1, v8;
	[tilespmem:s10+$0x0] =	vst v22  }
0x19b: {  	v22 =	vadd.s32 v5, v12;
	[tilespmem:s6+$0x0] =	vst v16;
	v16 =	vld.idx.msk [tilespmem:v27+s28+$0x0], $0xffff  }
0x19c: {  	v25 =	vld.idx.msk [tilespmem:v25+s28+$0x0], $0xffff;
	[tilespmem:s24+$0x0] =	vst v23;
	v23 =	vadd.s32 v6, v11  }
0x19d: {  	v27 =	vld.idx.msk [tilespmem:v29+s28+$0x0], $0xffff;
	v29 =	vadd.s32 v2, v20;
	[tilespmem:s25+$0x50] =	vst v28  }
0x19e: {  	v28 =	vadd.s32 v2, v13;
	[tilespmem:s23+$0x0] =	vst v15;
	v30 =	vld.idx.msk [tilespmem:v30+s28+$0x0], $0xffff  }
0x19f: {  	v31 =	vadd.s32 v2, v18;
	v26 =	vld.idx.msk [tilespmem:v26+s28+$0x0], $0xffff;
	[tilespmem:s2+$0x40] =	vst v24  }
0x1a0: {  	v15 =	vmov v21;
	v22 =	vld.idx.msk [tilespmem:v22+s28+$0x0], $0xffff;
	[tilespmem:s31+$0x50] =	vst v19;
	v19 =	vadd.s32 v7, v14;
	v14 =	vmov v20  }
0x1a1: {  	v21 =	vadd.s32 v2, v8;
	[tilespmem:s10+$0x10] =	vst v16;
	v20 =	vld.idx.msk [tilespmem:v23+s28+$0x0], $0xffff  }
0x1a2: {  	v23 =	vadd.s32 v6, v9;
	[tilespmem:s6+$0x10] =	vst v25;
	v16 =	vld.idx.msk [tilespmem:v29+s28+$0x0], $0xffff  }
0x1a3: {  	v25 =	vadd.s32 v6, v12;
	v24 =	vld.idx.msk [tilespmem:v28+s28+$0x0], $0xffff;
	[tilespmem:s24+$0x10] =	vst v27  }
0x1a4: {  	s11 =	sadd.s32 $0x1, s9;
	v28 =	vadd.s32 v3, v14;
	v27 =	vld.idx.msk [tilespmem:v31+s28+$0x0], $0xffff;
	[tilespmem:s25+$0x60] =	vst v30  }
0x1a5: {  	v29 =	vmov s11;
	v30 =	vadd.s32 v3, v13;
	[tilespmem:s23+$0x10] =	vst v26;
	v31 =	vld.idx.msk [tilespmem:v19+s28+$0x0], $0xffff  }
0x1a6: {  	v33 =	vadd.s32 v3, v18;
	v29 =	vand.u32 $0x3D, v29;
	v32 =	vld.idx.msk [tilespmem:v21+s28+$0x0], $0xffff;
	[tilespmem:s1+$0x50] =	vst v17  }
0x1a7: {  	v34 =	vadd.s32 v0, v29;
	[tilespmem:s2+$0x50] =	vst v22;
	v22 =	vld.idx.msk [tilespmem:v23+s28+$0x0], $0xffff  }
.Ltmp7:
0x1a8: {  	v19 =	vadd.s32 v3, v8;
	[tilespmem:s10+$0x20] =	vst v16;
	v21 =	vld.idx.msk [tilespmem:v25+s28+$0x0], $0xffff;
	(pc) =	sbr.rel @p1 .LBB2_11-.Ltmp7, $4  }
0x1a9: {  	v26 =	vadd.s32 v7, v11;
	v11 =	vmov v13;
	v13 =	vmov v29;
	[tilespmem:s6+$0x20] =	vst v24;
	v24 =	vld.idx.msk [tilespmem:v28+s28+$0x0], $0xffff  }
0x1aa: {  	v23 =	vadd.s32 v7, v9;
	v9 =	vmov v18;
	v25 =	vld.idx.msk [tilespmem:v30+s28+$0x0], $0xffff;
	[tilespmem:s24+$0x20] =	vst v27  }
0x1ab: {  	v27 =	vadd.s32 v4, v14;
	v17 =	vld.idx.msk [tilespmem:v33+s28+$0x0], $0xffff;
	[tilespmem:s25+$0x70] =	vst v31;
	s25 =	smov.u32 s10  }
0x1ac: {  	s9 =	sadd.s32 $0x4, s9;
	v28 =	vadd.s32 v4, v11;
	s10 =	sadd.s32 $0x3, s8;
	v16 =	vld.idx.msk [tilespmem:v34+s28+$0x0], $0xffff;
	[tilespmem:s23+$0x20] =	vst v32  }
0x1ad: {  	_ =	sdelay $0x1  }
0x1ae: {  	v37 =	vmov s10;
	[tilespmem:s31+$0x60] =	vst v20  }
0x1af: {  	v35 =	vadd.s32 v7, v12;
	s8 =	sadd.s32 $0x2, s8;
	[tilespmem:s1+$0x60] =	vst v22;
	s7 =	sadd.s32 $0x200, s7;
	v18 =	vand.u32 $0x3F, v37  }
0x1b0: {  	[tilespmem:s2+$0x60] =	vst v21;
	v19 =	vld.idx.msk [tilespmem:v19+s28+$0x0], $0xffff;
	v41 =	vmov s8;
	s10 =	sadd.s32 $0xFFFFFE80, s7;
	v42 =	vadd.s32 v0, v18  }
0x1b1: {  	[tilespmem:s25+$0x30] =	vst v24;
	v23 =	vld.idx.msk [tilespmem:v23+s28+$0x0], $0xffff;
	v12 =	vand.u32 $0x3E, v41;
	s11 =	sand.u32 $0x1C00, s10  }
0x1b2: {  	[tilespmem:s6+$0x30] =	vst v25;
	v36 =	vld.idx.msk [tilespmem:v27+s28+$0x0], $0xffff;
	s8 =	sand.u32 $0x200, s10;
	v43 =	vadd.s32 v0, v12;
	s9 =	sadd.s32 $0xCC00, s11  }
0x1b3: {  	v38 =	vld.idx.msk [tilespmem:v28+s28+$0x0], $0xffff;
	[tilespmem:s24+$0x30] =	vst v17;
	s8 =	sor.u32 s8, s9  }
0x1b4: {  	v40 =	vadd.s32 v5, v11;
	v24 =	vld.idx.msk [tilespmem:v35+s28+$0x0], $0xffff;
	[tilespmem:s8+$0x0] =	vst v15  }
0x1b5: {  	v39 =	vadd.s32 v5, v14;
	[tilespmem:s23+$0x30] =	vst v19;
	v22 =	vld.idx.msk [tilespmem:v42+s28+$0x0], $0xffff  }
0x1b6: {  	v46 =	vadd.s32 v1, v18;
	[tilespmem:s1+$0x70] =	vst v23  }
0x1b7: {  	v47 =	vadd.s32 v1, v13;
	[tilespmem:s25+$0x40] =	vst v36;
	v21 =	vld.idx.msk [tilespmem:v43+s28+$0x0], $0xffff  }
0x1b8: {  	v26 =	vld.idx.msk [tilespmem:v26+s28+$0x0], $0xffff;
	s12 =	sadd.s32 $0xFFFFFF00, s7;
	s13 =	sand.u32 $0x380, s7;
	v48 =	vadd.s32 v1, v12;
	[tilespmem:s6+$0x40] =	vst v38  }
0x1b9: {  	v49 =	vadd.s32 v1, v10;
	s7 =	sadd.s32 $0xFFFFFF80, s7;
	s1 =	sor.u32 s13, s9;
	v20 =	vld.idx.msk [tilespmem:v40+s28+$0x0], $0xffff;
	[tilespmem:s2+$0x70] =	vst v24;
	s2 =	sand.u32 $0x280, s12  }
0x1ba: {  	v45 =	vadd.s32 v6, v11;
	s7 =	sand.u32 $0x300, s7;
	v25 =	vld.idx.msk [tilespmem:v39+s28+$0x0], $0xffff;
	s2 =	sor.u32 s2, s9;
	[tilespmem:s1+$0x0] =	vst v22  }
0x1bb: {  	v44 =	vadd.s32 v6, v14;
	s7 =	sor.u32 s7, s9;
	[tilespmem:s2+$0x0] =	vst v16;
	v51 =	vld.idx.msk [tilespmem:v46+s28+$0x0], $0xffff  }
0x1bc: {  	v54 =	vadd.s32 v2, v18;
	v53 =	vld.idx.msk [tilespmem:v47+s28+$0x0], $0xffff;
	[tilespmem:s7+$0x0] =	vst v21  }
0x1bd: {  	v56 =	vadd.s32 v2, v13;
	[tilespmem:s31+$0x70] =	vst v26;
	v55 =	vld.idx.msk [tilespmem:v48+s28+$0x0], $0xffff  }
0x1be: {  	v58 =	vadd.s32 v2, v12;
	v57 =	vld.idx.msk [tilespmem:v49+s28+$0x0], $0xffff;
	[tilespmem:s6+$0x50] =	vst v20  }
0x1bf: {  	v59 =	vadd.s32 v2, v10;
	[tilespmem:s25+$0x50] =	vst v25;
	v20 =	vld.idx.msk [tilespmem:v45+s28+$0x0], $0xffff  }
0x1c0: {  	v52 =	vadd.s32 v7, v11;
	v27 =	vld.idx.msk [tilespmem:v44+s28+$0x0], $0xffff;
	[tilespmem:s1+$0x10] =	vst v51  }
0x1c1: {  	v50 =	vadd.s32 v7, v14;
	[tilespmem:s2+$0x10] =	vst v53;
	v16 =	vld.idx.msk [tilespmem:v54+s28+$0x0], $0xffff  }
0x1c2: {  	v60 =	vadd.s32 v3, v18;
	v15 =	vld.idx.msk [tilespmem:v56+s28+$0x0], $0xffff;
	[tilespmem:s7+$0x10] =	vst v55  }
0x1c3: {  	v62 =	vadd.s32 v3, v13;
	[tilespmem:s8+$0x10] =	vst v57;
	v61 =	vld.idx.msk [tilespmem:v58+s28+$0x0], $0xffff  }
0x1c4: {  	v28 =	vadd.s32 v3, v12;
	v63 =	vld.idx.msk [tilespmem:v59+s28+$0x0], $0xffff;
	[tilespmem:s6+$0x60] =	vst v20  }
0x1c5: {  	v29 =	vadd.s32 v3, v10;
	[tilespmem:s25+$0x60] =	vst v27;
	v11 =	vld.idx.msk [tilespmem:v52+s28+$0x0], $0xffff  }
0x1c6: {  	v30 =	vadd.s32 v4, v9;
	v14 =	vld.idx.msk [tilespmem:v50+s28+$0x0], $0xffff;
	[tilespmem:s1+$0x20] =	vst v16  }
0x1c7: {  	v31 =	vadd.s32 v4, v8;
	[tilespmem:s2+$0x20] =	vst v15;
	v32 =	vld.idx.msk [tilespmem:v60+s28+$0x0], $0xffff  }
0x1c8: {  	v34 =	vadd.s32 v4, v18;
	v33 =	vld.idx.msk [tilespmem:v62+s28+$0x0], $0xffff;
	[tilespmem:s7+$0x20] =	vst v61  }
0x1c9: {  	v36 =	vadd.s32 v4, v13;
	[tilespmem:s8+$0x20] =	vst v63;
	v35 =	vld.idx.msk [tilespmem:v28+s28+$0x0], $0xffff  }
0x1ca: {  	v37 =	vadd.s32 v4, v12;
	[tilespmem:s6+$0x70] =	vst v11;
	v11 =	vld.idx.msk [tilespmem:v29+s28+$0x0], $0xffff  }
0x1cb: {  	v38 =	vld.idx.msk [tilespmem:v30+s28+$0x0], $0xffff;
	v39 =	vadd.s32 v4, v10;
	[tilespmem:s25+$0x70] =	vst v14  }
0x1cc: {  	v40 =	vadd.s32 v5, v9;
	v16 =	vld.idx.msk [tilespmem:v31+s28+$0x0], $0xffff;
	[tilespmem:s1+$0x30] =	vst v32  }
0x1cd: {  	v41 =	vadd.s32 v5, v8;
	[tilespmem:s2+$0x30] =	vst v33;
	v42 =	vld.idx.msk [tilespmem:v34+s28+$0x0], $0xffff  }
0x1ce: {  	v43 =	vadd.s32 v5, v18;
	v14 =	vld.idx.msk [tilespmem:v36+s28+$0x0], $0xffff;
	[tilespmem:s7+$0x30] =	vst v35  }
0x1cf: {  	v44 =	vadd.s32 v5, v13;
	[tilespmem:s8+$0x30] =	vst v11;
	v17 =	vld.idx.msk [tilespmem:v37+s28+$0x0], $0xffff  }
0x1d0: {  	[tilespmem:s24+$0x40] =	vst v38;
	v45 =	vadd.s32 v5, v12;
	v19 =	vld.idx.msk [tilespmem:v39+s28+$0x0], $0xffff  }
0x1d1: {  	v46 =	vadd.s32 v5, v10;
	v23 =	vld.idx.msk [tilespmem:v40+s28+$0x0], $0xffff;
	[tilespmem:s23+$0x40] =	vst v16  }
0x1d2: {  	v47 =	vadd.s32 v6, v9;
	v15 =	vld.idx.msk [tilespmem:v41+s28+$0x0], $0xffff;
	[tilespmem:s1+$0x40] =	vst v42  }
0x1d3: {  	v48 =	vadd.s32 v6, v8;
	[tilespmem:s2+$0x40] =	vst v14;
	v49 =	vld.idx.msk [tilespmem:v43+s28+$0x0], $0xffff  }
0x1d4: {  	v50 =	vadd.s32 v6, v18;
	v11 =	vld.idx.msk [tilespmem:v44+s28+$0x0], $0xffff;
	[tilespmem:s7+$0x40] =	vst v17  }
0x1d5: {  	v52 =	vadd.s32 v6, v13;
	[tilespmem:s8+$0x40] =	vst v19;
	v51 =	vld.idx.msk [tilespmem:v45+s28+$0x0], $0xffff  }
0x1d6: {  	v53 =	vadd.s32 v6, v12;
	[tilespmem:s24+$0x50] =	vst v23;
	v16 =	vld.idx.msk [tilespmem:v46+s28+$0x0], $0xffff  }
0x1d7: {  	v55 =	vadd.s32 v6, v10;
	v54 =	vld.idx.msk [tilespmem:v47+s28+$0x0], $0xffff;
	[tilespmem:s23+$0x50] =	vst v15  }
0x1d8: {  	v56 =	vadd.s32 v7, v9;
	v20 =	vld.idx.msk [tilespmem:v48+s28+$0x0], $0xffff;
	[tilespmem:s1+$0x50] =	vst v49  }
0x1d9: {  	v8 =	vadd.s32 v7, v8;
	[tilespmem:s2+$0x50] =	vst v11;
	v14 =	vld.idx.msk [tilespmem:v50+s28+$0x0], $0xffff  }
0x1da: {  	v57 =	vadd.s32 v7, v18;
	v58 =	vld.idx.msk [tilespmem:v52+s28+$0x0], $0xffff;
	[tilespmem:s7+$0x50] =	vst v51  }
0x1db: {  	v60 =	vadd.s32 v7, v13;
	[tilespmem:s8+$0x50] =	vst v16;
	v59 =	vld.idx.msk [tilespmem:v53+s28+$0x0], $0xffff  }
0x1dc: {  	v12 =	vadd.s32 v7, v12;
	[tilespmem:s24+$0x60] =	vst v54;
	v61 =	vld.idx.msk [tilespmem:v55+s28+$0x0], $0xffff  }
0x1dd: {  	v62 =	vadd.s32 v7, v10;
	v9 =	vld.idx.msk [tilespmem:v56+s28+$0x0], $0xffff;
	[tilespmem:s23+$0x60] =	vst v20  }
0x1de: {  	v8 =	vld.idx.msk [tilespmem:v8+s28+$0x0], $0xffff;
	[tilespmem:s1+$0x60] =	vst v14  }
0x1df: {  	[tilespmem:s2+$0x60] =	vst v58;
	v11 =	vld.idx.msk [tilespmem:v57+s28+$0x0], $0xffff  }
0x1e0: {  	v13 =	vld.idx.msk [tilespmem:v60+s28+$0x0], $0xffff;
	[tilespmem:s7+$0x60] =	vst v59  }
0x1e1: {  	[tilespmem:s8+$0x60] =	vst v61;
	v12 =	vld.idx.msk [tilespmem:v12+s28+$0x0], $0xffff  }
0x1e2: {  	[tilespmem:s24+$0x70] =	vst v9;
	v63 =	vld.idx.msk [tilespmem:v62+s28+$0x0], $0xffff  }
0x1e3: {  	[tilespmem:s23+$0x70] =	vst v8  }
0x1e4: {  	[tilespmem:s1+$0x70] =	vst v11  }
0x1e5: {  	[tilespmem:s2+$0x70] =	vst v13  }
0x1e6: {  	[tilespmem:s7+$0x70] =	vst v12  }
0x1e7: {  	s24 =	simm.s32 $0xCC00;
	s23 =	sadd.s32 s22, s14;
	[tilespmem:s8+$0x70] =	vst v63  }
0x1e8: {  	[hbm4b:s23+s3] =	stream.linear.scatter [tilespmem:s24], [sflag:$0x4], $0x400, $0x38;
	[tilespmem:$0x11000] =	vst v63  }
0x1e9: {  	s31 =	simm.s32 $0xD000;
	s25 =	sadd.s32 s22, s15  }
0x1ea: {  	[hbm4b:s25+s3] =	stream.linear.scatter [tilespmem:s31], [sflag:$0x4], $0x400, $0x38;
	[tilespmem:$0x11000] =	vst v63  }
0x1eb: {  	s6 =	sadd.s32 s22, s16;
	s7 =	simm.s32 $0xD400  }
0x1ec: {  	[hbm4b:s6+s3] =	stream.linear.scatter [tilespmem:s7], [sflag:$0x4], $0x400, $0x38;
	[tilespmem:$0x11000] =	vst v63  }
0x1ed: {  	s9 =	simm.s32 $0xD800;
	s8 =	sadd.s32 s22, s17  }
0x1ee: {  	[hbm4b:s8+s3] =	stream.linear.scatter [tilespmem:s9], [sflag:$0x4], $0x400, $0x38;
	[tilespmem:$0x11000] =	vst v63  }
0x1ef: {  	s10 =	sadd.s32 s22, s18;
	s11 =	simm.s32 $0xDC00  }
0x1f0: {  	[hbm4b:s10+s3] =	stream.linear.scatter [tilespmem:s11], [sflag:$0x4], $0x400, $0x38;
	[tilespmem:$0x11000] =	vst v63  }
0x1f1: {  	p1 =	seq.s32 s4, $0x63;
	s13 =	simm.s32 $0xE000;
	s12 =	sadd.s32 s22, s19  }
0x1f2: {  	[hbm4b:s12+s3] =	stream.linear.scatter [tilespmem:s13], [sflag:$0x4], $0x400, $0x38;
	[tilespmem:$0x11000] =	vst v63  }
.Ltmp8:
0x1f3: {  	_ = 	snop;
	(pc) =	sbr.rel @p1 .LBB2_14-.Ltmp8, $4  }
0x1f4: {  	s23 =	sadd.s32 s22, s20;
	s24 =	simm.s32 $0xE400  }
0x1f5: {  	[hbm4b:s23+s3] =	stream.linear.scatter [tilespmem:s24], [sflag:$0x4], $0x400, $0x38;
	[tilespmem:$0x11000] =	vst v63  }
0x1f6: {  	s25 =	sadd.s32 s22, s21;
	s31 =	simm.s32 $0xE800  }
0x1f7: {  	[hbm4b:s25+s3] =	stream.linear.scatter [tilespmem:s31], [sflag:$0x4], $0x400, $0x38;
	[tilespmem:$0x11000] =	vst v63  }
.Ltmp9:
0x1f8: {  	(pc) =	sbr.rel .LBB2_4-.Ltmp9, $4  }
0x1f9: {  	_ = 	snop  }
0x1fa: {  	s1 =	sshrl.u32 s5, $0x2;
	s2 =	rddreg [dreg:$0x2]  }
0x1fb: {  	s31 =	simm.s32 $0x80;
	s4 =	sadd.s32 $0x1, s4;
	s1 =	sadd.s32 $0x180, s1  }
0x1fc: {  	[tilespmem:s28], [sflag:$0x2] =	stream.indirect.gather [spmem:s2], $0x48, s1, s31, $0xb8;
	[tilespmem:$0x11000] =	vst v63  }
.LBB2_15:
0x1fd: {  	_ =	sfence.sel $0x180000  }
0x1fe: {  	[bflag:$0x0] =	sbarrier.arrive $0xFFFF  }
0x1ff: {  	_ =	strace $0x90000047  }
0x200: {  	[bflag:$0x2] =	sbarrier.arrive $0xFFFF  }
0x201: {  	s0 =	rddreg [dreg:$0x3]  }
0x202: {  	s0 =	sadd.s32 @!p0 $0x100000, s0  }
0x203: {  	[sflag:s0] =	ssyncadd.tile.s32 @!p0 $0x1;
	_ =	shalt  }
.Lfunc_end2:
_tile_overlayer_lowered:
.L_overlay_start_2:
0x204: {  	(tag) =	ssettag $0x2  }
0x205: {  	s0 =	rddreg [dreg:$0x0];
	s2 =	stileid.u32  }
0x206: {  	s1 =	rddreg [dreg:$0x1];
	p0 =	sne.s32 s2, $0x0  }
0x207: {  	s3 =	rddreg [dreg:$0x2];
	[bflag:$0x3] =	sbarrier.arrive $0xFFFF;
	s2 =	simm.s32 @!p0 $0x1C05  }
0x208: {  	[timem:s3], [sflag:s2] =	dma.local @!p0 [hbm:s0], s1  }
0x209: {  	s0 =	simm.s32 @!p0 $0x5  }
0x20a: {  	_ =	swait.ge @!p0 [sflag:s0], s1  }
0x20b: {  	s1 =	ssub.s32 @!p0 $0x0, s1;
	[sflag:s0] =	ssyncset.done @!p0 $0x0  }
0x20c: {  	[sflag:s0] =	ssyncadd.s32 @!p0 s1  }
0x20d: {  	[bflag:$0x3] =	sbarrier.arrive $0xFFFF  }
0x20e: {  	_ =	shalt  }

</sc_bundles>
